<compile_context>
chip_gen: v7x
topology: tpu7x:2x2x1
jax: 0.10.2.dev20260603
libtpu: 0.0.44.dev20260713+nightly
codegen_flags: <defaults>
</compile_context>

<pallas_src>
import jax
import jax.numpy as jnp
from jax import lax
from jax.experimental import pallas as pl
from jax.experimental.pallas import tpu as pltpu
from jax.experimental.pallas import tpu_sc as plsc

_NC = 2
_NS = 16
_CHUNK = 128
_BN = 2000


def _dot(a, b):
    return lax.dot_general(a, b, (((1,), (0,)), ((), ())),
                           preferred_element_type=jnp.float32,
                           precision=lax.Precision.DEFAULT)


def _sigmoid(v):
    return 1.0 / (1.0 + jnp.exp(-v))


def _gru_elu(a, x, Wih, Whh, bih, bhh):
    H = x.shape[1]
    gi = _dot(a, Wih) + bih
    gh = _dot(x, Whh) + bhh
    r = _sigmoid(gi[:, :H] + gh[:, :H])
    z = _sigmoid(gi[:, H:2 * H] + gh[:, H:2 * H])
    n = jnp.tanh(gi[:, 2 * H:] + r * gh[:, 2 * H:])
    xn = (1.0 - z) * n + z * x
    return jnp.where(xn > 0, xn, jnp.exp(xn) - 1.0)



def _emb_msg_body(h_ref, We_ref, be_ref, Wm_ref, bm_ref, x_ref, m_ref):
    x = _dot(h_ref[...], We_ref[...]) + be_ref[...]
    x_ref[...] = x
    m_ref[...] = _dot(x, Wm_ref[...]) + bm_ref[...]


def _gru_msg_body(ap_ref, x_ref, Wih_ref, Whh_ref, bih_ref, bhh_ref,
                  Wm_ref, bm_ref, xo_ref, mo_ref):
    a = ap_ref[0] + ap_ref[1]
    xn = _gru_elu(a, x_ref[...], Wih_ref[...], Whh_ref[...],
                  bih_ref[...], bhh_ref[...])
    xo_ref[...] = xn
    mo_ref[...] = _dot(xn, Wm_ref[...]) + bm_ref[...]


def _gru_out_body(ap_ref, x_ref, Wih_ref, Whh_ref, bih_ref, bhh_ref,
                  Wo_ref, bo_ref, o_ref):
    a = ap_ref[0] + ap_ref[1]
    xn = _gru_elu(a, x_ref[...], Wih_ref[...], Whh_ref[...],
                  bih_ref[...], bhh_ref[...])
    logits = _dot(xn, Wo_ref[...]) + bo_ref[...]
    mx = jnp.max(logits, axis=1, keepdims=True)
    sh = logits - mx
    lse = jnp.log(jnp.sum(jnp.exp(sh), axis=1, keepdims=True))
    o_ref[...] = sh - lse



def _segsum_body(m_hbm, z_hbm, src_hbm, dst_hbm, out_hbm,
                 idx_s, idx_d, buf0, buf1, acc, sem0, sem1, sem2, sem3, semz):
    c = lax.axis_index("c")
    s = lax.axis_index("s")
    tile = c * _NS + s
    nchk = src_hbm.shape[0] // (_NC * _NS)
    n_pad = acc.shape[0]

    rows_z = n_pad // _NS
    zero_cp = pltpu.async_copy(z_hbm.at[pl.ds(s * rows_z, rows_z)],
                               acc.at[pl.ds(s * rows_z, rows_z)], semz)

    stg = idx_s.shape[0]
    first = True
    for hh in range(nchk // stg):
        pltpu.sync_copy(src_hbm.at[pl.ds(tile * nchk + hh * stg, stg)], idx_s)
        pltpu.sync_copy(dst_hbm.at[pl.ds(tile * nchk + hh * stg, stg)], idx_d)
        pltpu.async_copy(m_hbm.at[idx_s.at[0]], buf0, sem0)
        pltpu.async_copy(m_hbm.at[idx_s.at[1]], buf1, sem1)
        if first:
            first = False
            zero_cp.wait()
            plsc.subcore_barrier()

        def body(jj, carry):
            j0 = 2 * jj
            j1 = j0 + 1
            pltpu.make_async_copy(m_hbm.at[idx_s.at[j0]], buf0, sem0).wait()
            pltpu.sync_copy(buf0, acc.at[idx_d.at[j0]], add=True)
            pltpu.async_copy(m_hbm.at[idx_s.at[j0 + 2]], buf0, sem0)

            pltpu.make_async_copy(m_hbm.at[idx_s.at[j1]], buf1, sem1).wait()
            pltpu.sync_copy(buf1, acc.at[idx_d.at[j1]], add=True)
            pltpu.async_copy(m_hbm.at[idx_s.at[j1 + 2]], buf1, sem1)
            return carry

        lax.fori_loop(0, stg // 2 - 1, body, 0)

        pltpu.make_async_copy(m_hbm.at[idx_s.at[stg - 2]], buf0, sem0).wait()
        pltpu.sync_copy(buf0, acc.at[idx_d.at[stg - 2]], add=True)
        pltpu.make_async_copy(m_hbm.at[idx_s.at[stg - 1]], buf1, sem1).wait()
        pltpu.sync_copy(buf1, acc.at[idx_d.at[stg - 1]], add=True)
    plsc.subcore_barrier()

    pltpu.sync_copy(acc.at[pl.ds(s * rows_z, rows_z)],
                    out_hbm.at[pl.ds(c * n_pad + s * rows_z, rows_z)])


def _segment_sum_sc(m, zeros_pad, srcp, dstp):
    n, h = m.shape
    nchk = srcp.shape[0] // (_NC * _NS)
    n_pad = zeros_pad.shape[0]
    mesh = plsc.VectorSubcoreMesh(core_axis_name="c", subcore_axis_name="s",
                                  num_cores=_NC, num_subcores=_NS)
    f = pl.kernel(
        _segsum_body,
        out_type=jax.ShapeDtypeStruct((_NC * n_pad, h), jnp.float32),
        mesh=mesh,
        scratch_types=[
            pltpu.VMEM((nchk // 2, _CHUNK), jnp.int32),
            pltpu.VMEM((nchk // 2, _CHUNK), jnp.int32),
            pltpu.VMEM((_CHUNK, h), jnp.float32),
            pltpu.VMEM((_CHUNK, h), jnp.float32),
            pltpu.VMEM_SHARED((n_pad, h), jnp.float32),
            pltpu.SemaphoreType.DMA,
            pltpu.SemaphoreType.DMA,
            pltpu.SemaphoreType.DMA,
            pltpu.SemaphoreType.DMA,
            pltpu.SemaphoreType.DMA,
        ],
    )
    return f(m, zeros_pad, srcp, dstp).reshape(_NC, n_pad, h)[:, :n]



def kernel(h, edge_index, etypes, W_emb, b_emb, W_msg0, b_msg0, W_ih0, W_hh0,
           b_ih0, b_hh0, W_msg1, b_msg1, W_ih1, W_hh1, b_ih1, b_hh1,
           W_out, b_out):
    n, f_in = h.shape
    hid = W_emb.shape[1]
    ncls = W_out.shape[1]
    e = edge_index.shape[1]
    tiles = _NC * _NS

    e_per_tile = -(-e // tiles)
    nchk = 8 * (-(-e_per_tile // (8 * _CHUNK)))
    e_pad = nchk * _CHUNK
    src = edge_index[0]
    dst = edge_index[1]
    if e_per_tile * tiles != e:
        pad = e_per_tile * tiles - e
        src = jnp.concatenate([src, jnp.zeros((pad,), jnp.int32)])
        dst = jnp.concatenate([dst, jnp.full((pad,), n, jnp.int32)])
    srcp = jnp.pad(src.reshape(tiles, e_per_tile),
                   ((0, 0), (0, e_pad - e_per_tile))).reshape(tiles * nchk, _CHUNK)
    dstp = jnp.pad(dst.reshape(tiles, e_per_tile),
                   ((0, 0), (0, e_pad - e_per_tile)),
                   constant_values=n).reshape(tiles * nchk, _CHUNK)

    n_pad = 8 * _NS * (-(-(n + 1) // (8 * _NS)))
    zeros_pad = jnp.zeros((n_pad, hid), jnp.float32)

    grid = (n // _BN,)
    row_blk = pl.BlockSpec((_BN, hid), lambda i: (i, 0))
    ap_blk = pl.BlockSpec((_NC, _BN, hid), lambda i: (0, i, 0))

    def full(shape):
        return pl.BlockSpec(shape, lambda i: tuple(0 for _ in shape))

    b_emb2 = b_emb.reshape(1, hid)
    b_msg0_2 = b_msg0.reshape(1, hid)
    b_msg1_2 = b_msg1.reshape(1, hid)
    b_ih0_2 = b_ih0.reshape(1, 3 * hid)
    b_hh0_2 = b_hh0.reshape(1, 3 * hid)
    b_ih1_2 = b_ih1.reshape(1, 3 * hid)
    b_hh1_2 = b_hh1.reshape(1, 3 * hid)
    b_out2 = b_out.reshape(1, ncls)

    x0, m0 = pl.pallas_call(
        _emb_msg_body,
        grid=grid,
        in_specs=[
            pl.BlockSpec((_BN, f_in), lambda i: (i, 0)),
            full((f_in, hid)), full((1, hid)),
            full((hid, hid)), full((1, hid)),
        ],
        out_specs=[row_blk, row_blk],
        out_shape=[jax.ShapeDtypeStruct((n, hid), jnp.float32),
                   jax.ShapeDtypeStruct((n, hid), jnp.float32)],
    )(h, W_emb, b_emb2, W_msg0, b_msg0_2)

    ap0 = _segment_sum_sc(m0, zeros_pad, srcp, dstp)

    x1, m1 = pl.pallas_call(
        _gru_msg_body,
        grid=grid,
        in_specs=[
            ap_blk, row_blk,
            full((hid, 3 * hid)), full((hid, 3 * hid)),
            full((1, 3 * hid)), full((1, 3 * hid)),
            full((hid, hid)), full((1, hid)),
        ],
        out_specs=[row_blk, row_blk],
        out_shape=[jax.ShapeDtypeStruct((n, hid), jnp.float32),
                   jax.ShapeDtypeStruct((n, hid), jnp.float32)],
    )(ap0, x0, W_ih0, W_hh0, b_ih0_2, b_hh0_2, W_msg1, b_msg1_2)

    ap1 = _segment_sum_sc(m1, zeros_pad, srcp, dstp)

    out = pl.pallas_call(
        _gru_out_body,
        grid=grid,
        in_specs=[
            ap_blk, row_blk,
            full((hid, 3 * hid)), full((hid, 3 * hid)),
            full((1, 3 * hid)), full((1, 3 * hid)),
            full((hid, ncls)), full((1, ncls)),
        ],
        out_specs=pl.BlockSpec((_BN, ncls), lambda i: (i, 0)),
        out_shape=jax.ShapeDtypeStruct((n, ncls), jnp.float32),
    )(ap1, x1, W_ih1, W_hh1, b_ih1_2, b_hh1_2, W_out, b_out2)

    return out

# --- scband reference (transcript-rebuilt; emitter-appended) ---
"""Pipeline reference for scband-gated-dgl-58110907515590 (READ-ONLY COPY).

The authoritative reference and input builder live on the scoring server;
editing this copy changes nothing except your own understanding.
"""

import jax, jax.numpy as jnp
import numpy as np

N = 10000
E = 320000
IN_FEATS = 128
HID = 128
NCLS = 40


def _p(key, shape):
    return jax.random.normal(key, shape, dtype=jnp.float32) * 0.05


def setup_inputs(seed: int = 0) -> dict:
    key = jax.random.key(seed)
    ks = jax.random.split(key, 20)
    inp = {}
    inp['h'] = jax.random.normal(ks[0], (N, IN_FEATS), dtype=jnp.float32)
    inp['edge_index'] = jax.random.randint(ks[1], (2, E), 0, N, dtype=jnp.int32)
    inp['etypes'] = jnp.zeros((E,), dtype=jnp.int32)
    # embedding linear
    inp['W_emb'] = _p(ks[2], (IN_FEATS, HID))
    inp['b_emb'] = jnp.zeros((HID,), dtype=jnp.float32)
    # GatedGraphConv layer 0 (n_steps=1, n_etypes=1)
    inp['W_msg0'] = _p(ks[3], (HID, HID))
    inp['b_msg0'] = jnp.zeros((HID,), dtype=jnp.float32)
    inp['W_ih0'] = _p(ks[4], (HID, 3 * HID))
    inp['W_hh0'] = _p(ks[5], (HID, 3 * HID))
    inp['b_ih0'] = jnp.zeros((3 * HID,), dtype=jnp.float32)
    inp['b_hh0'] = jnp.zeros((3 * HID,), dtype=jnp.float32)
    # GatedGraphConv layer 1
    inp['W_msg1'] = _p(ks[6], (HID, HID))
    inp['b_msg1'] = jnp.zeros((HID,), dtype=jnp.float32)
    inp['W_ih1'] = _p(ks[7], (HID, 3 * HID))
    inp['W_hh1'] = _p(ks[8], (HID, 3 * HID))
    inp['b_ih1'] = jnp.zeros((3 * HID,), dtype=jnp.float32)
    inp['b_hh1'] = jnp.zeros((3 * HID,), dtype=jnp.float32)
    # readout
    inp['W_out'] = _p(ks[9], (HID, NCLS))
    inp['b_out'] = jnp.zeros((NCLS,), dtype=jnp.float32)
    return inp


def _gru_cell(a, hprev, W_ih, W_hh, b_ih, b_hh):
    gi = a @ W_ih + b_ih
    gh = hprev @ W_hh + b_hh
    i_r, i_z, i_n = jnp.split(gi, 3, axis=1)
    h_r, h_z, h_n = jnp.split(gh, 3, axis=1)
    r = jax.nn.sigmoid(i_r + h_r)
    z = jax.nn.sigmoid(i_z + h_z)
    n = jnp.tanh(i_n + r * h_n)
    return (1.0 - z) * n + z * hprev


def reference(h, edge_index, etypes, W_emb, b_emb, W_msg0, b_msg0, W_ih0, W_hh0, b_ih0, b_hh0, W_msg1, b_msg1, W_ih1, W_hh1, b_ih1, b_hh1, W_out, b_out):
    src = edge_index[0]
    dst = edge_index[1]
    x = h @ W_emb + b_emb
    layers = [
        (W_msg0, b_msg0, W_ih0, W_hh0, b_ih0, b_hh0),
        (W_msg1, b_msg1, W_ih1, W_hh1, b_ih1, b_hh1),
    ]
    for (W_msg, b_msg, W_ih, W_hh, b_ih, b_hh) in layers:
        # GatedGraphConv with n_steps=1, n_etypes=1:
        # message = Linear(x_src); aggregate = sum over incoming edges; GRU update
        m = x @ W_msg + b_msg
        a = jax.ops.segment_sum(m[src], dst, num_segments=N)
        x = _gru_cell(a, x, W_ih, W_hh, b_ih, b_hh)
        x = jax.nn.elu(x)
        # dropout: identity (eval mode)
    logits = x @ W_out + b_out
    return jax.nn.log_softmax(logits, axis=1)

if __name__ == "__main__":
    import jax
    _d = setup_inputs()
    print(jax.jit(kernel)(*tuple(_d.values())))

</pallas_src>

<mosaic_0001>
#map = affine_map<(d0, d1) -> (0, 0)>
module attributes {stable_mosaic.version = 14 : i64} {
  func.func @_segsum_body(%arg0: i32, %arg1: i32, %arg2: memref<10000x128xf32, #tpu.memory_space<hbm>>, %arg3: memref<10112x128xf32, #tpu.memory_space<hbm>>, %arg4: memref<2560x128xi32, #tpu.memory_space<hbm>>, %arg5: memref<2560x128xi32, #tpu.memory_space<hbm>>, %arg6: memref<20224x128xf32, #tpu.memory_space<hbm>>, %arg7: memref<40x128xi32, #tpu.memory_space<vmem>>, %arg8: memref<40x128xi32, #tpu.memory_space<vmem>>, %arg9: memref<128x128xf32, #tpu.memory_space<vmem>>, %arg10: memref<128x128xf32, #tpu.memory_space<vmem>>, %arg11: memref<10112x128xf32, #tpu.memory_space<vmem_shared>>, %arg12: memref<!tpu.dma_semaphore, #tpu.memory_space<semaphore_mem>>, %arg13: memref<!tpu.dma_semaphore, #tpu.memory_space<semaphore_mem>>, %arg14: memref<!tpu.dma_semaphore, #tpu.memory_space<semaphore_mem>>, %arg15: memref<!tpu.dma_semaphore, #tpu.memory_space<semaphore_mem>>, %arg16: memref<!tpu.dma_semaphore, #tpu.memory_space<semaphore_mem>>) attributes {dimension_semantics = [#tpu.dimension_semantics<core_parallel>, #tpu.dimension_semantics<subcore_parallel>], iteration_bounds = array<i64: 2, 16>, scalar_prefetch = 0 : i64, scratch_operands = 10 : i64, tpu.core_type = #tpu.core_type<sc_vector_subcore>, window_params = [{transform_indices = #map}, {transform_indices = #map}, {transform_indices = #map}, {transform_indices = #map}, {transform_indices = #map}]} {
    %mul3A = arith.constant 16 : i32
    %mul3A_0 = arith.muli %arg0, %mul3A : i32
    %add3A = arith.addi %mul3A_0, %arg1 : i32
    %mul3A_1 = arith.constant 632 : i32
    %mul3A_2 = arith.muli %arg1, %mul3A_1 : i32
    %mul3A_3 = arith.constant 632 : i32
    %mul3A_4 = arith.muli %arg1, %mul3A_3 : i32
    %dma_start3A = arith.constant 0 : i32
    %dma_start3A_5 = tpu.memref_slice %arg11[%mul3A_4, %dma_start3A] : memref<10112x128xf32, #tpu.memory_space<vmem_shared>> -> memref<632x128xf32, #tpu.memory_space<vmem_shared>>
    %dma_start3A_6 = arith.constant 0 : i32
    %dma_start3A_7 = tpu.memref_slice %arg3[%mul3A_2, %dma_start3A_6] : memref<10112x128xf32, #tpu.memory_space<hbm>> -> memref<632x128xf32, #tpu.memory_space<hbm>>
    tpu.enqueue_dma source(%dma_start3A_7 : memref<632x128xf32, #tpu.memory_space<hbm>>) target(%dma_start3A_5 : memref<632x128xf32, #tpu.memory_space<vmem_shared>>) target_semaphore(%arg16 : memref<!tpu.dma_semaphore, #tpu.memory_space<semaphore_mem>>)
    %mul3A_8 = arith.constant 80 : i32
    %mul3A_9 = arith.muli %add3A, %mul3A_8 : i32
    %add3A_10 = arith.constant 0 : i32
    %add3A_11 = arith.addi %mul3A_9, %add3A_10 : i32
    "tpu.region"() ({
      %run_scoped3A_105 = tpu.sem_alloc : memref<!tpu.dma_semaphore, #tpu.memory_space<semaphore_mem>>
      %dma_start3A_106 = arith.constant 0 : i32
      %dma_start3A_107 = tpu.memref_slice %arg4[%add3A_11, %dma_start3A_106] : memref<2560x128xi32, #tpu.memory_space<hbm>> -> memref<40x128xi32, #tpu.memory_space<hbm>>
      %dma_start3A_108 = arith.constant 0 : i32
      %dma_start3A_109 = tpu.memref_slice %arg4[%add3A_11, %dma_start3A_108] : memref<2560x128xi32, #tpu.memory_space<hbm>> -> memref<40x128xi32, #tpu.memory_space<hbm>>
      tpu.enqueue_dma source(%dma_start3A_109 : memref<40x128xi32, #tpu.memory_space<hbm>>) target(%arg7 : memref<40x128xi32, #tpu.memory_space<vmem>>) target_semaphore(%run_scoped3A_105 : memref<!tpu.dma_semaphore, #tpu.memory_space<semaphore_mem>>)
      %dma_wait3A_110 = arith.constant 0 : i32
      %dma_wait3A_111 = tpu.memref_slice %arg4[%add3A_11, %dma_wait3A_110] : memref<2560x128xi32, #tpu.memory_space<hbm>> -> memref<40x128xi32, #tpu.memory_space<hbm>>
      %dma_wait3A_112 = arith.constant 0 : i32
      %dma_wait3A_113 = tpu.memref_slice %arg4[%add3A_11, %dma_wait3A_112] : memref<2560x128xi32, #tpu.memory_space<hbm>> -> memref<40x128xi32, #tpu.memory_space<hbm>>
      tpu.wait_dma2 semaphore(%run_scoped3A_105 : memref<!tpu.dma_semaphore, #tpu.memory_space<semaphore_mem>>) src(%dma_wait3A_113 : memref<40x128xi32, #tpu.memory_space<hbm>>) dst(%arg7 : memref<40x128xi32, #tpu.memory_space<vmem>>)
      tpu.yield
    }) : () -> ()
    %mul3A_12 = arith.constant 80 : i32
    %mul3A_13 = arith.muli %add3A, %mul3A_12 : i32
    %add3A_14 = arith.constant 0 : i32
    %add3A_15 = arith.addi %mul3A_13, %add3A_14 : i32
    "tpu.region"() ({
      %run_scoped3A_105 = tpu.sem_alloc : memref<!tpu.dma_semaphore, #tpu.memory_space<semaphore_mem>>
      %dma_start3A_106 = arith.constant 0 : i32
      %dma_start3A_107 = tpu.memref_slice %arg5[%add3A_15, %dma_start3A_106] : memref<2560x128xi32, #tpu.memory_space<hbm>> -> memref<40x128xi32, #tpu.memory_space<hbm>>
      %dma_start3A_108 = arith.constant 0 : i32
      %dma_start3A_109 = tpu.memref_slice %arg5[%add3A_15, %dma_start3A_108] : memref<2560x128xi32, #tpu.memory_space<hbm>> -> memref<40x128xi32, #tpu.memory_space<hbm>>
      tpu.enqueue_dma source(%dma_start3A_109 : memref<40x128xi32, #tpu.memory_space<hbm>>) target(%arg8 : memref<40x128xi32, #tpu.memory_space<vmem>>) target_semaphore(%run_scoped3A_105 : memref<!tpu.dma_semaphore, #tpu.memory_space<semaphore_mem>>)
      %dma_wait3A_110 = arith.constant 0 : i32
      %dma_wait3A_111 = tpu.memref_slice %arg5[%add3A_15, %dma_wait3A_110] : memref<2560x128xi32, #tpu.memory_space<hbm>> -> memref<40x128xi32, #tpu.memory_space<hbm>>
      %dma_wait3A_112 = arith.constant 0 : i32
      %dma_wait3A_113 = tpu.memref_slice %arg5[%add3A_15, %dma_wait3A_112] : memref<2560x128xi32, #tpu.memory_space<hbm>> -> memref<40x128xi32, #tpu.memory_space<hbm>>
      tpu.wait_dma2 semaphore(%run_scoped3A_105 : memref<!tpu.dma_semaphore, #tpu.memory_space<semaphore_mem>>) src(%dma_wait3A_113 : memref<40x128xi32, #tpu.memory_space<hbm>>) dst(%arg8 : memref<40x128xi32, #tpu.memory_space<vmem>>)
      tpu.yield
    }) : () -> ()
    %dma_start3A_16 = arith.constant 0 : i32
    %dma_start3A_17 = arith.constant 0 : i32
    %dma_start3A_18 = tpu.memref_slice %arg7[%dma_start3A_16, %dma_start3A_17] : memref<40x128xi32, #tpu.memory_space<vmem>> -> memref<1x128xi32, #tpu.memory_space<vmem>>
    %dma_start3A_19 = tpu.memref_squeeze %dma_start3A_18 : memref<1x128xi32, #tpu.memory_space<vmem>> -> memref<128xi32, #tpu.memory_space<vmem>>
    %dma_start3A_20 = arith.constant 0 : i32
    %dma_start3A_21 = arith.constant 0 : i32
    %dma_start3A_22 = tpu.memref_slice %arg2[%dma_start3A_20, %dma_start3A_21] : memref<10000x128xf32, #tpu.memory_space<hbm>> -> memref<10000x128xf32, #tpu.memory_space<hbm>>
    tpu.enqueue_indirect_dma source(%dma_start3A_22 : memref<10000x128xf32, #tpu.memory_space<hbm>>) target(%arg9 : memref<128x128xf32, #tpu.memory_space<vmem>>) offsets(%dma_start3A_19 : memref<128xi32, #tpu.memory_space<vmem>>) semaphore(%arg12 : memref<!tpu.dma_semaphore, #tpu.memory_space<semaphore_mem>>)
    %dma_start3A_23 = arith.constant 1 : i32
    %dma_start3A_24 = arith.constant 0 : i32
    %dma_start3A_25 = tpu.memref_slice %arg7[%dma_start3A_23, %dma_start3A_24] : memref<40x128xi32, #tpu.memory_space<vmem>> -> memref<1x128xi32, #tpu.memory_space<vmem>>
    %dma_start3A_26 = tpu.memref_squeeze %dma_start3A_25 : memref<1x128xi32, #tpu.memory_space<vmem>> -> memref<128xi32, #tpu.memory_space<vmem>>
    %dma_start3A_27 = arith.constant 0 : i32
    %dma_start3A_28 = arith.constant 0 : i32
    %dma_start3A_29 = tpu.memref_slice %arg2[%dma_start3A_27, %dma_start3A_28] : memref<10000x128xf32, #tpu.memory_space<hbm>> -> memref<10000x128xf32, #tpu.memory_space<hbm>>
    tpu.enqueue_indirect_dma source(%dma_start3A_29 : memref<10000x128xf32, #tpu.memory_space<hbm>>) target(%arg10 : memref<128x128xf32, #tpu.memory_space<vmem>>) offsets(%dma_start3A_26 : memref<128xi32, #tpu.memory_space<vmem>>) semaphore(%arg13 : memref<!tpu.dma_semaphore, #tpu.memory_space<semaphore_mem>>)
    %dma_wait3A = arith.constant 0 : i32
    %dma_wait3A_30 = tpu.memref_slice %arg11[%mul3A_4, %dma_wait3A] : memref<10112x128xf32, #tpu.memory_space<vmem_shared>> -> memref<632x128xf32, #tpu.memory_space<vmem_shared>>
    %dma_wait3A_31 = arith.constant 0 : i32
    %dma_wait3A_32 = tpu.memref_slice %arg3[%mul3A_2, %dma_wait3A_31] : memref<10112x128xf32, #tpu.memory_space<hbm>> -> memref<632x128xf32, #tpu.memory_space<hbm>>
    tpu.wait_dma2 semaphore(%arg16 : memref<!tpu.dma_semaphore, #tpu.memory_space<semaphore_mem>>) src(%dma_wait3A_32 : memref<632x128xf32, #tpu.memory_space<hbm>>) dst(%dma_wait3A_30 : memref<632x128xf32, #tpu.memory_space<vmem_shared>>)
    %barrier3A = arith.constant 0 : index
    tpu.barrier barrier_id(%barrier3A)
    %scan3A = arith.constant 0 : i32
    %scan3A_33 = arith.constant 0 : i32
    %scan3A_34 = arith.constant 19 : i32
    %scan3A_35 = arith.addi %scan3A_33, %scan3A_34 : i32
    %scan3A_36 = arith.constant 1 : i32
    scf.for %scan3A_105 = %scan3A_33 to %scan3A_35 step %scan3A_36  : i32 {
      %mul3A_106 = arith.constant 2 : i32
      %mul3A_107 = arith.muli %mul3A_106, %scan3A_105 : i32
      %add3A_108 = arith.constant 1 : i32
      %add3A_109 = arith.addi %mul3A_107, %add3A_108 : i32
      %dma_wait3A_110 = arith.constant 0 : i32
      %dma_wait3A_111 = tpu.memref_slice %arg7[%mul3A_107, %dma_wait3A_110] : memref<40x128xi32, #tpu.memory_space<vmem>> -> memref<1x128xi32, #tpu.memory_space<vmem>>
      %dma_wait3A_112 = tpu.memref_squeeze %dma_wait3A_111 : memref<1x128xi32, #tpu.memory_space<vmem>> -> memref<128xi32, #tpu.memory_space<vmem>>
      %dma_wait3A_113 = arith.constant 0 : i32
      %dma_wait3A_114 = arith.constant 0 : i32
      %dma_wait3A_115 = tpu.memref_slice %arg2[%dma_wait3A_113, %dma_wait3A_114] : memref<10000x128xf32, #tpu.memory_space<hbm>> -> memref<10000x128xf32, #tpu.memory_space<hbm>>
      tpu.wait_indirect_dma semaphore(%arg12 : memref<!tpu.dma_semaphore, #tpu.memory_space<semaphore_mem>>) src(%dma_wait3A_115 : memref<10000x128xf32, #tpu.memory_space<hbm>>) dst(%arg9 : memref<128x128xf32, #tpu.memory_space<vmem>>)
      "tpu.region"() ({
        %run_scoped3A_138 = tpu.sem_alloc : memref<!tpu.dma_semaphore, #tpu.memory_space<semaphore_mem>>
        %dma_start3A_139 = arith.constant 0 : i32
        %dma_start3A_140 = tpu.memref_slice %arg8[%mul3A_107, %dma_start3A_139] : memref<40x128xi32, #tpu.memory_space<vmem>> -> memref<1x128xi32, #tpu.memory_space<vmem>>
        %dma_start3A_141 = tpu.memref_squeeze %dma_start3A_140 : memref<1x128xi32, #tpu.memory_space<vmem>> -> memref<128xi32, #tpu.memory_space<vmem>>
        %dma_start3A_142 = arith.constant 0 : i32
        %dma_start3A_143 = arith.constant 0 : i32
        %dma_start3A_144 = tpu.memref_slice %arg11[%dma_start3A_142, %dma_start3A_143] : memref<10112x128xf32, #tpu.memory_space<vmem_shared>> -> memref<10112x128xf32, #tpu.memory_space<vmem_shared>>
        tpu.enqueue_indirect_dma source(%arg9 : memref<128x128xf32, #tpu.memory_space<vmem>>) target(%dma_start3A_144 : memref<10112x128xf32, #tpu.memory_space<vmem_shared>>) offsets(%dma_start3A_141 : memref<128xi32, #tpu.memory_space<vmem>>) semaphore(%run_scoped3A_138 : memref<!tpu.dma_semaphore, #tpu.memory_space<semaphore_mem>>) {add = true}
        %dma_wait3A_145 = arith.constant 0 : i32
        %dma_wait3A_146 = tpu.memref_slice %arg8[%mul3A_107, %dma_wait3A_145] : memref<40x128xi32, #tpu.memory_space<vmem>> -> memref<1x128xi32, #tpu.memory_space<vmem>>
        %dma_wait3A_147 = tpu.memref_squeeze %dma_wait3A_146 : memref<1x128xi32, #tpu.memory_space<vmem>> -> memref<128xi32, #tpu.memory_space<vmem>>
        %dma_wait3A_148 = arith.constant 0 : i32
        %dma_wait3A_149 = arith.constant 0 : i32
        %dma_wait3A_150 = tpu.memref_slice %arg11[%dma_wait3A_148, %dma_wait3A_149] : memref<10112x128xf32, #tpu.memory_space<vmem_shared>> -> memref<10112x128xf32, #tpu.memory_space<vmem_shared>>
        tpu.wait_indirect_dma semaphore(%run_scoped3A_138 : memref<!tpu.dma_semaphore, #tpu.memory_space<semaphore_mem>>) src(%arg9 : memref<128x128xf32, #tpu.memory_space<vmem>>) dst(%dma_wait3A_150 : memref<10112x128xf32, #tpu.memory_space<vmem_shared>>)
        tpu.yield
      }) : () -> ()
      %add3A_116 = arith.constant 2 : i32
      %add3A_117 = arith.addi %mul3A_107, %add3A_116 : i32
      %dma_start3A_118 = arith.constant 0 : i32
      %dma_start3A_119 = tpu.memref_slice %arg7[%add3A_117, %dma_start3A_118] : memref<40x128xi32, #tpu.memory_space<vmem>> -> memref<1x128xi32, #tpu.memory_space<vmem>>
      %dma_start3A_120 = tpu.memref_squeeze %dma_start3A_119 : memref<1x128xi32, #tpu.memory_space<vmem>> -> memref<128xi32, #tpu.memory_space<vmem>>
      %dma_start3A_121 = arith.constant 0 : i32
      %dma_start3A_122 = arith.constant 0 : i32
      %dma_start3A_123 = tpu.memref_slice %arg2[%dma_start3A_121, %dma_start3A_122] : memref<10000x128xf32, #tpu.memory_space<hbm>> -> memref<10000x128xf32, #tpu.memory_space<hbm>>
      tpu.enqueue_indirect_dma source(%dma_start3A_123 : memref<10000x128xf32, #tpu.memory_space<hbm>>) target(%arg9 : memref<128x128xf32, #tpu.memory_space<vmem>>) offsets(%dma_start3A_120 : memref<128xi32, #tpu.memory_space<vmem>>) semaphore(%arg12 : memref<!tpu.dma_semaphore, #tpu.memory_space<semaphore_mem>>)
      %dma_wait3A_124 = arith.constant 0 : i32
      %dma_wait3A_125 = tpu.memref_slice %arg7[%add3A_109, %dma_wait3A_124] : memref<40x128xi32, #tpu.memory_space<vmem>> -> memref<1x128xi32, #tpu.memory_space<vmem>>
      %dma_wait3A_126 = tpu.memref_squeeze %dma_wait3A_125 : memref<1x128xi32, #tpu.memory_space<vmem>> -> memref<128xi32, #tpu.memory_space<vmem>>
      %dma_wait3A_127 = arith.constant 0 : i32
      %dma_wait3A_128 = arith.constant 0 : i32
      %dma_wait3A_129 = tpu.memref_slice %arg2[%dma_wait3A_127, %dma_wait3A_128] : memref<10000x128xf32, #tpu.memory_space<hbm>> -> memref<10000x128xf32, #tpu.memory_space<hbm>>
      tpu.wait_indirect_dma semaphore(%arg13 : memref<!tpu.dma_semaphore, #tpu.memory_space<semaphore_mem>>) src(%dma_wait3A_129 : memref<10000x128xf32, #tpu.memory_space<hbm>>) dst(%arg10 : memref<128x128xf32, #tpu.memory_space<vmem>>)
      "tpu.region"() ({
        %run_scoped3A_138 = tpu.sem_alloc : memref<!tpu.dma_semaphore, #tpu.memory_space<semaphore_mem>>
        %dma_start3A_139 = arith.constant 0 : i32
        %dma_start3A_140 = tpu.memref_slice %arg8[%add3A_109, %dma_start3A_139] : memref<40x128xi32, #tpu.memory_space<vmem>> -> memref<1x128xi32, #tpu.memory_space<vmem>>
        %dma_start3A_141 = tpu.memref_squeeze %dma_start3A_140 : memref<1x128xi32, #tpu.memory_space<vmem>> -> memref<128xi32, #tpu.memory_space<vmem>>
        %dma_start3A_142 = arith.constant 0 : i32
        %dma_start3A_143 = arith.constant 0 : i32
        %dma_start3A_144 = tpu.memref_slice %arg11[%dma_start3A_142, %dma_start3A_143] : memref<10112x128xf32, #tpu.memory_space<vmem_shared>> -> memref<10112x128xf32, #tpu.memory_space<vmem_shared>>
        tpu.enqueue_indirect_dma source(%arg10 : memref<128x128xf32, #tpu.memory_space<vmem>>) target(%dma_start3A_144 : memref<10112x128xf32, #tpu.memory_space<vmem_shared>>) offsets(%dma_start3A_141 : memref<128xi32, #tpu.memory_space<vmem>>) semaphore(%run_scoped3A_138 : memref<!tpu.dma_semaphore, #tpu.memory_space<semaphore_mem>>) {add = true}
        %dma_wait3A_145 = arith.constant 0 : i32
        %dma_wait3A_146 = tpu.memref_slice %arg8[%add3A_109, %dma_wait3A_145] : memref<40x128xi32, #tpu.memory_space<vmem>> -> memref<1x128xi32, #tpu.memory_space<vmem>>
        %dma_wait3A_147 = tpu.memref_squeeze %dma_wait3A_146 : memref<1x128xi32, #tpu.memory_space<vmem>> -> memref<128xi32, #tpu.memory_space<vmem>>
        %dma_wait3A_148 = arith.constant 0 : i32
        %dma_wait3A_149 = arith.constant 0 : i32
        %dma_wait3A_150 = tpu.memref_slice %arg11[%dma_wait3A_148, %dma_wait3A_149] : memref<10112x128xf32, #tpu.memory_space<vmem_shared>> -> memref<10112x128xf32, #tpu.memory_space<vmem_shared>>
        tpu.wait_indirect_dma semaphore(%run_scoped3A_138 : memref<!tpu.dma_semaphore, #tpu.memory_space<semaphore_mem>>) src(%arg10 : memref<128x128xf32, #tpu.memory_space<vmem>>) dst(%dma_wait3A_150 : memref<10112x128xf32, #tpu.memory_space<vmem_shared>>)
        tpu.yield
      }) : () -> ()
      %add3A_130 = arith.constant 2 : i32
      %add3A_131 = arith.addi %add3A_109, %add3A_130 : i32
      %dma_start3A_132 = arith.constant 0 : i32
      %dma_start3A_133 = tpu.memref_slice %arg7[%add3A_131, %dma_start3A_132] : memref<40x128xi32, #tpu.memory_space<vmem>> -> memref<1x128xi32, #tpu.memory_space<vmem>>
      %dma_start3A_134 = tpu.memref_squeeze %dma_start3A_133 : memref<1x128xi32, #tpu.memory_space<vmem>> -> memref<128xi32, #tpu.memory_space<vmem>>
      %dma_start3A_135 = arith.constant 0 : i32
      %dma_start3A_136 = arith.constant 0 : i32
      %dma_start3A_137 = tpu.memref_slice %arg2[%dma_start3A_135, %dma_start3A_136] : memref<10000x128xf32, #tpu.memory_space<hbm>> -> memref<10000x128xf32, #tpu.memory_space<hbm>>
      tpu.enqueue_indirect_dma source(%dma_start3A_137 : memref<10000x128xf32, #tpu.memory_space<hbm>>) target(%arg10 : memref<128x128xf32, #tpu.memory_space<vmem>>) offsets(%dma_start3A_134 : memref<128xi32, #tpu.memory_space<vmem>>) semaphore(%arg13 : memref<!tpu.dma_semaphore, #tpu.memory_space<semaphore_mem>>)
    }
    %scan3A_37 = arith.constant 19 : i32
    %dma_wait3A_38 = arith.constant 38 : i32
    %dma_wait3A_39 = arith.constant 0 : i32
    %dma_wait3A_40 = tpu.memref_slice %arg7[%dma_wait3A_38, %dma_wait3A_39] : memref<40x128xi32, #tpu.memory_space<vmem>> -> memref<1x128xi32, #tpu.memory_space<vmem>>
    %dma_wait3A_41 = tpu.memref_squeeze %dma_wait3A_40 : memref<1x128xi32, #tpu.memory_space<vmem>> -> memref<128xi32, #tpu.memory_space<vmem>>
    %dma_wait3A_42 = arith.constant 0 : i32
    %dma_wait3A_43 = arith.constant 0 : i32
    %dma_wait3A_44 = tpu.memref_slice %arg2[%dma_wait3A_42, %dma_wait3A_43] : memref<10000x128xf32, #tpu.memory_space<hbm>> -> memref<10000x128xf32, #tpu.memory_space<hbm>>
    tpu.wait_indirect_dma semaphore(%arg12 : memref<!tpu.dma_semaphore, #tpu.memory_space<semaphore_mem>>) src(%dma_wait3A_44 : memref<10000x128xf32, #tpu.memory_space<hbm>>) dst(%arg9 : memref<128x128xf32, #tpu.memory_space<vmem>>)
    %run_scoped3A = arith.constant 38 : i32
    "tpu.region"() ({
      %run_scoped3A_105 = tpu.sem_alloc : memref<!tpu.dma_semaphore, #tpu.memory_space<semaphore_mem>>
      %dma_start3A_106 = arith.constant 0 : i32
      %dma_start3A_107 = tpu.memref_slice %arg8[%run_scoped3A, %dma_start3A_106] : memref<40x128xi32, #tpu.memory_space<vmem>> -> memref<1x128xi32, #tpu.memory_space<vmem>>
      %dma_start3A_108 = tpu.memref_squeeze %dma_start3A_107 : memref<1x128xi32, #tpu.memory_space<vmem>> -> memref<128xi32, #tpu.memory_space<vmem>>
      %dma_start3A_109 = arith.constant 0 : i32
      %dma_start3A_110 = arith.constant 0 : i32
      %dma_start3A_111 = tpu.memref_slice %arg11[%dma_start3A_109, %dma_start3A_110] : memref<10112x128xf32, #tpu.memory_space<vmem_shared>> -> memref<10112x128xf32, #tpu.memory_space<vmem_shared>>
      tpu.enqueue_indirect_dma source(%arg9 : memref<128x128xf32, #tpu.memory_space<vmem>>) target(%dma_start3A_111 : memref<10112x128xf32, #tpu.memory_space<vmem_shared>>) offsets(%dma_start3A_108 : memref<128xi32, #tpu.memory_space<vmem>>) semaphore(%run_scoped3A_105 : memref<!tpu.dma_semaphore, #tpu.memory_space<semaphore_mem>>) {add = true}
      %dma_wait3A_112 = arith.constant 0 : i32
      %dma_wait3A_113 = tpu.memref_slice %arg8[%run_scoped3A, %dma_wait3A_112] : memref<40x128xi32, #tpu.memory_space<vmem>> -> memref<1x128xi32, #tpu.memory_space<vmem>>
      %dma_wait3A_114 = tpu.memref_squeeze %dma_wait3A_113 : memref<1x128xi32, #tpu.memory_space<vmem>> -> memref<128xi32, #tpu.memory_space<vmem>>
      %dma_wait3A_115 = arith.constant 0 : i32
      %dma_wait3A_116 = arith.constant 0 : i32
      %dma_wait3A_117 = tpu.memref_slice %arg11[%dma_wait3A_115, %dma_wait3A_116] : memref<10112x128xf32, #tpu.memory_space<vmem_shared>> -> memref<10112x128xf32, #tpu.memory_space<vmem_shared>>
      tpu.wait_indirect_dma semaphore(%run_scoped3A_105 : memref<!tpu.dma_semaphore, #tpu.memory_space<semaphore_mem>>) src(%arg9 : memref<128x128xf32, #tpu.memory_space<vmem>>) dst(%dma_wait3A_117 : memref<10112x128xf32, #tpu.memory_space<vmem_shared>>)
      tpu.yield
    }) : () -> ()
    %dma_wait3A_45 = arith.constant 39 : i32
    %dma_wait3A_46 = arith.constant 0 : i32
    %dma_wait3A_47 = tpu.memref_slice %arg7[%dma_wait3A_45, %dma_wait3A_46] : memref<40x128xi32, #tpu.memory_space<vmem>> -> memref<1x128xi32, #tpu.memory_space<vmem>>
    %dma_wait3A_48 = tpu.memref_squeeze %dma_wait3A_47 : memref<1x128xi32, #tpu.memory_space<vmem>> -> memref<128xi32, #tpu.memory_space<vmem>>
    %dma_wait3A_49 = arith.constant 0 : i32
    %dma_wait3A_50 = arith.constant 0 : i32
    %dma_wait3A_51 = tpu.memref_slice %arg2[%dma_wait3A_49, %dma_wait3A_50] : memref<10000x128xf32, #tpu.memory_space<hbm>> -> memref<10000x128xf32, #tpu.memory_space<hbm>>
    tpu.wait_indirect_dma semaphore(%arg13 : memref<!tpu.dma_semaphore, #tpu.memory_space<semaphore_mem>>) src(%dma_wait3A_51 : memref<10000x128xf32, #tpu.memory_space<hbm>>) dst(%arg10 : memref<128x128xf32, #tpu.memory_space<vmem>>)
    %run_scoped3A_52 = arith.constant 39 : i32
    "tpu.region"() ({
      %run_scoped3A_105 = tpu.sem_alloc : memref<!tpu.dma_semaphore, #tpu.memory_space<semaphore_mem>>
      %dma_start3A_106 = arith.constant 0 : i32
      %dma_start3A_107 = tpu.memref_slice %arg8[%run_scoped3A_52, %dma_start3A_106] : memref<40x128xi32, #tpu.memory_space<vmem>> -> memref<1x128xi32, #tpu.memory_space<vmem>>
      %dma_start3A_108 = tpu.memref_squeeze %dma_start3A_107 : memref<1x128xi32, #tpu.memory_space<vmem>> -> memref<128xi32, #tpu.memory_space<vmem>>
      %dma_start3A_109 = arith.constant 0 : i32
      %dma_start3A_110 = arith.constant 0 : i32
      %dma_start3A_111 = tpu.memref_slice %arg11[%dma_start3A_109, %dma_start3A_110] : memref<10112x128xf32, #tpu.memory_space<vmem_shared>> -> memref<10112x128xf32, #tpu.memory_space<vmem_shared>>
      tpu.enqueue_indirect_dma source(%arg10 : memref<128x128xf32, #tpu.memory_space<vmem>>) target(%dma_start3A_111 : memref<10112x128xf32, #tpu.memory_space<vmem_shared>>) offsets(%dma_start3A_108 : memref<128xi32, #tpu.memory_space<vmem>>) semaphore(%run_scoped3A_105 : memref<!tpu.dma_semaphore, #tpu.memory_space<semaphore_mem>>) {add = true}
      %dma_wait3A_112 = arith.constant 0 : i32
      %dma_wait3A_113 = tpu.memref_slice %arg8[%run_scoped3A_52, %dma_wait3A_112] : memref<40x128xi32, #tpu.memory_space<vmem>> -> memref<1x128xi32, #tpu.memory_space<vmem>>
      %dma_wait3A_114 = tpu.memref_squeeze %dma_wait3A_113 : memref<1x128xi32, #tpu.memory_space<vmem>> -> memref<128xi32, #tpu.memory_space<vmem>>
      %dma_wait3A_115 = arith.constant 0 : i32
      %dma_wait3A_116 = arith.constant 0 : i32
      %dma_wait3A_117 = tpu.memref_slice %arg11[%dma_wait3A_115, %dma_wait3A_116] : memref<10112x128xf32, #tpu.memory_space<vmem_shared>> -> memref<10112x128xf32, #tpu.memory_space<vmem_shared>>
      tpu.wait_indirect_dma semaphore(%run_scoped3A_105 : memref<!tpu.dma_semaphore, #tpu.memory_space<semaphore_mem>>) src(%arg10 : memref<128x128xf32, #tpu.memory_space<vmem>>) dst(%dma_wait3A_117 : memref<10112x128xf32, #tpu.memory_space<vmem_shared>>)
      tpu.yield
    }) : () -> ()
    %mul3A_53 = arith.constant 80 : i32
    %mul3A_54 = arith.muli %add3A, %mul3A_53 : i32
    %add3A_55 = arith.constant 40 : i32
    %add3A_56 = arith.addi %mul3A_54, %add3A_55 : i32
    "tpu.region"() ({
      %run_scoped3A_105 = tpu.sem_alloc : memref<!tpu.dma_semaphore, #tpu.memory_space<semaphore_mem>>
      %dma_start3A_106 = arith.constant 0 : i32
      %dma_start3A_107 = tpu.memref_slice %arg4[%add3A_56, %dma_start3A_106] : memref<2560x128xi32, #tpu.memory_space<hbm>> -> memref<40x128xi32, #tpu.memory_space<hbm>>
      %dma_start3A_108 = arith.constant 0 : i32
      %dma_start3A_109 = tpu.memref_slice %arg4[%add3A_56, %dma_start3A_108] : memref<2560x128xi32, #tpu.memory_space<hbm>> -> memref<40x128xi32, #tpu.memory_space<hbm>>
      tpu.enqueue_dma source(%dma_start3A_109 : memref<40x128xi32, #tpu.memory_space<hbm>>) target(%arg7 : memref<40x128xi32, #tpu.memory_space<vmem>>) target_semaphore(%run_scoped3A_105 : memref<!tpu.dma_semaphore, #tpu.memory_space<semaphore_mem>>)
      %dma_wait3A_110 = arith.constant 0 : i32
      %dma_wait3A_111 = tpu.memref_slice %arg4[%add3A_56, %dma_wait3A_110] : memref<2560x128xi32, #tpu.memory_space<hbm>> -> memref<40x128xi32, #tpu.memory_space<hbm>>
      %dma_wait3A_112 = arith.constant 0 : i32
      %dma_wait3A_113 = tpu.memref_slice %arg4[%add3A_56, %dma_wait3A_112] : memref<2560x128xi32, #tpu.memory_space<hbm>> -> memref<40x128xi32, #tpu.memory_space<hbm>>
      tpu.wait_dma2 semaphore(%run_scoped3A_105 : memref<!tpu.dma_semaphore, #tpu.memory_space<semaphore_mem>>) src(%dma_wait3A_113 : memref<40x128xi32, #tpu.memory_space<hbm>>) dst(%arg7 : memref<40x128xi32, #tpu.memory_space<vmem>>)
      tpu.yield
    }) : () -> ()
    %mul3A_57 = arith.constant 80 : i32
    %mul3A_58 = arith.muli %add3A, %mul3A_57 : i32
    %add3A_59 = arith.constant 40 : i32
    %add3A_60 = arith.addi %mul3A_58, %add3A_59 : i32
    "tpu.region"() ({
      %run_scoped3A_105 = tpu.sem_alloc : memref<!tpu.dma_semaphore, #tpu.memory_space<semaphore_mem>>
      %dma_start3A_106 = arith.constant 0 : i32
      %dma_start3A_107 = tpu.memref_slice %arg5[%add3A_60, %dma_start3A_106] : memref<2560x128xi32, #tpu.memory_space<hbm>> -> memref<40x128xi32, #tpu.memory_space<hbm>>
      %dma_start3A_108 = arith.constant 0 : i32
      %dma_start3A_109 = tpu.memref_slice %arg5[%add3A_60, %dma_start3A_108] : memref<2560x128xi32, #tpu.memory_space<hbm>> -> memref<40x128xi32, #tpu.memory_space<hbm>>
      tpu.enqueue_dma source(%dma_start3A_109 : memref<40x128xi32, #tpu.memory_space<hbm>>) target(%arg8 : memref<40x128xi32, #tpu.memory_space<vmem>>) target_semaphore(%run_scoped3A_105 : memref<!tpu.dma_semaphore, #tpu.memory_space<semaphore_mem>>)
      %dma_wait3A_110 = arith.constant 0 : i32
      %dma_wait3A_111 = tpu.memref_slice %arg5[%add3A_60, %dma_wait3A_110] : memref<2560x128xi32, #tpu.memory_space<hbm>> -> memref<40x128xi32, #tpu.memory_space<hbm>>
      %dma_wait3A_112 = arith.constant 0 : i32
      %dma_wait3A_113 = tpu.memref_slice %arg5[%add3A_60, %dma_wait3A_112] : memref<2560x128xi32, #tpu.memory_space<hbm>> -> memref<40x128xi32, #tpu.memory_space<hbm>>
      tpu.wait_dma2 semaphore(%run_scoped3A_105 : memref<!tpu.dma_semaphore, #tpu.memory_space<semaphore_mem>>) src(%dma_wait3A_113 : memref<40x128xi32, #tpu.memory_space<hbm>>) dst(%arg8 : memref<40x128xi32, #tpu.memory_space<vmem>>)
      tpu.yield
    }) : () -> ()
    %dma_start3A_61 = arith.constant 0 : i32
    %dma_start3A_62 = arith.constant 0 : i32
    %dma_start3A_63 = tpu.memref_slice %arg7[%dma_start3A_61, %dma_start3A_62] : memref<40x128xi32, #tpu.memory_space<vmem>> -> memref<1x128xi32, #tpu.memory_space<vmem>>
    %dma_start3A_64 = tpu.memref_squeeze %dma_start3A_63 : memref<1x128xi32, #tpu.memory_space<vmem>> -> memref<128xi32, #tpu.memory_space<vmem>>
    %dma_start3A_65 = arith.constant 0 : i32
    %dma_start3A_66 = arith.constant 0 : i32
    %dma_start3A_67 = tpu.memref_slice %arg2[%dma_start3A_65, %dma_start3A_66] : memref<10000x128xf32, #tpu.memory_space<hbm>> -> memref<10000x128xf32, #tpu.memory_space<hbm>>
    tpu.enqueue_indirect_dma source(%dma_start3A_67 : memref<10000x128xf32, #tpu.memory_space<hbm>>) target(%arg9 : memref<128x128xf32, #tpu.memory_space<vmem>>) offsets(%dma_start3A_64 : memref<128xi32, #tpu.memory_space<vmem>>) semaphore(%arg12 : memref<!tpu.dma_semaphore, #tpu.memory_space<semaphore_mem>>)
    %dma_start3A_68 = arith.constant 1 : i32
    %dma_start3A_69 = arith.constant 0 : i32
    %dma_start3A_70 = tpu.memref_slice %arg7[%dma_start3A_68, %dma_start3A_69] : memref<40x128xi32, #tpu.memory_space<vmem>> -> memref<1x128xi32, #tpu.memory_space<vmem>>
    %dma_start3A_71 = tpu.memref_squeeze %dma_start3A_70 : memref<1x128xi32, #tpu.memory_space<vmem>> -> memref<128xi32, #tpu.memory_space<vmem>>
    %dma_start3A_72 = arith.constant 0 : i32
    %dma_start3A_73 = arith.constant 0 : i32
    %dma_start3A_74 = tpu.memref_slice %arg2[%dma_start3A_72, %dma_start3A_73] : memref<10000x128xf32, #tpu.memory_space<hbm>> -> memref<10000x128xf32, #tpu.memory_space<hbm>>
    tpu.enqueue_indirect_dma source(%dma_start3A_74 : memref<10000x128xf32, #tpu.memory_space<hbm>>) target(%arg10 : memref<128x128xf32, #tpu.memory_space<vmem>>) offsets(%dma_start3A_71 : memref<128xi32, #tpu.memory_space<vmem>>) semaphore(%arg13 : memref<!tpu.dma_semaphore, #tpu.memory_space<semaphore_mem>>)
    %scan3A_75 = arith.constant 0 : i32
    %scan3A_76 = arith.constant 0 : i32
    %scan3A_77 = arith.constant 19 : i32
    %scan3A_78 = arith.addi %scan3A_76, %scan3A_77 : i32
    %scan3A_79 = arith.constant 1 : i32
    scf.for %scan3A_105 = %scan3A_76 to %scan3A_78 step %scan3A_79  : i32 {
      %mul3A_106 = arith.constant 2 : i32
      %mul3A_107 = arith.muli %mul3A_106, %scan3A_105 : i32
      %add3A_108 = arith.constant 1 : i32
      %add3A_109 = arith.addi %mul3A_107, %add3A_108 : i32
      %dma_wait3A_110 = arith.constant 0 : i32
      %dma_wait3A_111 = tpu.memref_slice %arg7[%mul3A_107, %dma_wait3A_110] : memref<40x128xi32, #tpu.memory_space<vmem>> -> memref<1x128xi32, #tpu.memory_space<vmem>>
      %dma_wait3A_112 = tpu.memref_squeeze %dma_wait3A_111 : memref<1x128xi32, #tpu.memory_space<vmem>> -> memref<128xi32, #tpu.memory_space<vmem>>
      %dma_wait3A_113 = arith.constant 0 : i32
      %dma_wait3A_114 = arith.constant 0 : i32
      %dma_wait3A_115 = tpu.memref_slice %arg2[%dma_wait3A_113, %dma_wait3A_114] : memref<10000x128xf32, #tpu.memory_space<hbm>> -> memref<10000x128xf32, #tpu.memory_space<hbm>>
      tpu.wait_indirect_dma semaphore(%arg12 : memref<!tpu.dma_semaphore, #tpu.memory_space<semaphore_mem>>) src(%dma_wait3A_115 : memref<10000x128xf32, #tpu.memory_space<hbm>>) dst(%arg9 : memref<128x128xf32, #tpu.memory_space<vmem>>)
      "tpu.region"() ({
        %run_scoped3A_138 = tpu.sem_alloc : memref<!tpu.dma_semaphore, #tpu.memory_space<semaphore_mem>>
        %dma_start3A_139 = arith.constant 0 : i32
        %dma_start3A_140 = tpu.memref_slice %arg8[%mul3A_107, %dma_start3A_139] : memref<40x128xi32, #tpu.memory_space<vmem>> -> memref<1x128xi32, #tpu.memory_space<vmem>>
        %dma_start3A_141 = tpu.memref_squeeze %dma_start3A_140 : memref<1x128xi32, #tpu.memory_space<vmem>> -> memref<128xi32, #tpu.memory_space<vmem>>
        %dma_start3A_142 = arith.constant 0 : i32
        %dma_start3A_143 = arith.constant 0 : i32
        %dma_start3A_144 = tpu.memref_slice %arg11[%dma_start3A_142, %dma_start3A_143] : memref<10112x128xf32, #tpu.memory_space<vmem_shared>> -> memref<10112x128xf32, #tpu.memory_space<vmem_shared>>
        tpu.enqueue_indirect_dma source(%arg9 : memref<128x128xf32, #tpu.memory_space<vmem>>) target(%dma_start3A_144 : memref<10112x128xf32, #tpu.memory_space<vmem_shared>>) offsets(%dma_start3A_141 : memref<128xi32, #tpu.memory_space<vmem>>) semaphore(%run_scoped3A_138 : memref<!tpu.dma_semaphore, #tpu.memory_space<semaphore_mem>>) {add = true}
        %dma_wait3A_145 = arith.constant 0 : i32
        %dma_wait3A_146 = tpu.memref_slice %arg8[%mul3A_107, %dma_wait3A_145] : memref<40x128xi32, #tpu.memory_space<vmem>> -> memref<1x128xi32, #tpu.memory_space<vmem>>
        %dma_wait3A_147 = tpu.memref_squeeze %dma_wait3A_146 : memref<1x128xi32, #tpu.memory_space<vmem>> -> memref<128xi32, #tpu.memory_space<vmem>>
        %dma_wait3A_148 = arith.constant 0 : i32
        %dma_wait3A_149 = arith.constant 0 : i32
        %dma_wait3A_150 = tpu.memref_slice %arg11[%dma_wait3A_148, %dma_wait3A_149] : memref<10112x128xf32, #tpu.memory_space<vmem_shared>> -> memref<10112x128xf32, #tpu.memory_space<vmem_shared>>
        tpu.wait_indirect_dma semaphore(%run_scoped3A_138 : memref<!tpu.dma_semaphore, #tpu.memory_space<semaphore_mem>>) src(%arg9 : memref<128x128xf32, #tpu.memory_space<vmem>>) dst(%dma_wait3A_150 : memref<10112x128xf32, #tpu.memory_space<vmem_shared>>)
        tpu.yield
      }) : () -> ()
      %add3A_116 = arith.constant 2 : i32
      %add3A_117 = arith.addi %mul3A_107, %add3A_116 : i32
      %dma_start3A_118 = arith.constant 0 : i32
      %dma_start3A_119 = tpu.memref_slice %arg7[%add3A_117, %dma_start3A_118] : memref<40x128xi32, #tpu.memory_space<vmem>> -> memref<1x128xi32, #tpu.memory_space<vmem>>
      %dma_start3A_120 = tpu.memref_squeeze %dma_start3A_119 : memref<1x128xi32, #tpu.memory_space<vmem>> -> memref<128xi32, #tpu.memory_space<vmem>>
      %dma_start3A_121 = arith.constant 0 : i32
      %dma_start3A_122 = arith.constant 0 : i32
      %dma_start3A_123 = tpu.memref_slice %arg2[%dma_start3A_121, %dma_start3A_122] : memref<10000x128xf32, #tpu.memory_space<hbm>> -> memref<10000x128xf32, #tpu.memory_space<hbm>>
      tpu.enqueue_indirect_dma source(%dma_start3A_123 : memref<10000x128xf32, #tpu.memory_space<hbm>>) target(%arg9 : memref<128x128xf32, #tpu.memory_space<vmem>>) offsets(%dma_start3A_120 : memref<128xi32, #tpu.memory_space<vmem>>) semaphore(%arg12 : memref<!tpu.dma_semaphore, #tpu.memory_space<semaphore_mem>>)
      %dma_wait3A_124 = arith.constant 0 : i32
      %dma_wait3A_125 = tpu.memref_slice %arg7[%add3A_109, %dma_wait3A_124] : memref<40x128xi32, #tpu.memory_space<vmem>> -> memref<1x128xi32, #tpu.memory_space<vmem>>
      %dma_wait3A_126 = tpu.memref_squeeze %dma_wait3A_125 : memref<1x128xi32, #tpu.memory_space<vmem>> -> memref<128xi32, #tpu.memory_space<vmem>>
      %dma_wait3A_127 = arith.constant 0 : i32
      %dma_wait3A_128 = arith.constant 0 : i32
      %dma_wait3A_129 = tpu.memref_slice %arg2[%dma_wait3A_127, %dma_wait3A_128] : memref<10000x128xf32, #tpu.memory_space<hbm>> -> memref<10000x128xf32, #tpu.memory_space<hbm>>
      tpu.wait_indirect_dma semaphore(%arg13 : memref<!tpu.dma_semaphore, #tpu.memory_space<semaphore_mem>>) src(%dma_wait3A_129 : memref<10000x128xf32, #tpu.memory_space<hbm>>) dst(%arg10 : memref<128x128xf32, #tpu.memory_space<vmem>>)
      "tpu.region"() ({
        %run_scoped3A_138 = tpu.sem_alloc : memref<!tpu.dma_semaphore, #tpu.memory_space<semaphore_mem>>
        %dma_start3A_139 = arith.constant 0 : i32
        %dma_start3A_140 = tpu.memref_slice %arg8[%add3A_109, %dma_start3A_139] : memref<40x128xi32, #tpu.memory_space<vmem>> -> memref<1x128xi32, #tpu.memory_space<vmem>>
        %dma_start3A_141 = tpu.memref_squeeze %dma_start3A_140 : memref<1x128xi32, #tpu.memory_space<vmem>> -> memref<128xi32, #tpu.memory_space<vmem>>
        %dma_start3A_142 = arith.constant 0 : i32
        %dma_start3A_143 = arith.constant 0 : i32
        %dma_start3A_144 = tpu.memref_slice %arg11[%dma_start3A_142, %dma_start3A_143] : memref<10112x128xf32, #tpu.memory_space<vmem_shared>> -> memref<10112x128xf32, #tpu.memory_space<vmem_shared>>
        tpu.enqueue_indirect_dma source(%arg10 : memref<128x128xf32, #tpu.memory_space<vmem>>) target(%dma_start3A_144 : memref<10112x128xf32, #tpu.memory_space<vmem_shared>>) offsets(%dma_start3A_141 : memref<128xi32, #tpu.memory_space<vmem>>) semaphore(%run_scoped3A_138 : memref<!tpu.dma_semaphore, #tpu.memory_space<semaphore_mem>>) {add = true}
        %dma_wait3A_145 = arith.constant 0 : i32
        %dma_wait3A_146 = tpu.memref_slice %arg8[%add3A_109, %dma_wait3A_145] : memref<40x128xi32, #tpu.memory_space<vmem>> -> memref<1x128xi32, #tpu.memory_space<vmem>>
        %dma_wait3A_147 = tpu.memref_squeeze %dma_wait3A_146 : memref<1x128xi32, #tpu.memory_space<vmem>> -> memref<128xi32, #tpu.memory_space<vmem>>
        %dma_wait3A_148 = arith.constant 0 : i32
        %dma_wait3A_149 = arith.constant 0 : i32
        %dma_wait3A_150 = tpu.memref_slice %arg11[%dma_wait3A_148, %dma_wait3A_149] : memref<10112x128xf32, #tpu.memory_space<vmem_shared>> -> memref<10112x128xf32, #tpu.memory_space<vmem_shared>>
        tpu.wait_indirect_dma semaphore(%run_scoped3A_138 : memref<!tpu.dma_semaphore, #tpu.memory_space<semaphore_mem>>) src(%arg10 : memref<128x128xf32, #tpu.memory_space<vmem>>) dst(%dma_wait3A_150 : memref<10112x128xf32, #tpu.memory_space<vmem_shared>>)
        tpu.yield
      }) : () -> ()
      %add3A_130 = arith.constant 2 : i32
      %add3A_131 = arith.addi %add3A_109, %add3A_130 : i32
      %dma_start3A_132 = arith.constant 0 : i32
      %dma_start3A_133 = tpu.memref_slice %arg7[%add3A_131, %dma_start3A_132] : memref<40x128xi32, #tpu.memory_space<vmem>> -> memref<1x128xi32, #tpu.memory_space<vmem>>
      %dma_start3A_134 = tpu.memref_squeeze %dma_start3A_133 : memref<1x128xi32, #tpu.memory_space<vmem>> -> memref<128xi32, #tpu.memory_space<vmem>>
      %dma_start3A_135 = arith.constant 0 : i32
      %dma_start3A_136 = arith.constant 0 : i32
      %dma_start3A_137 = tpu.memref_slice %arg2[%dma_start3A_135, %dma_start3A_136] : memref<10000x128xf32, #tpu.memory_space<hbm>> -> memref<10000x128xf32, #tpu.memory_space<hbm>>
      tpu.enqueue_indirect_dma source(%dma_start3A_137 : memref<10000x128xf32, #tpu.memory_space<hbm>>) target(%arg10 : memref<128x128xf32, #tpu.memory_space<vmem>>) offsets(%dma_start3A_134 : memref<128xi32, #tpu.memory_space<vmem>>) semaphore(%arg13 : memref<!tpu.dma_semaphore, #tpu.memory_space<semaphore_mem>>)
    }
    %scan3A_80 = arith.constant 19 : i32
    %dma_wait3A_81 = arith.constant 38 : i32
    %dma_wait3A_82 = arith.constant 0 : i32
    %dma_wait3A_83 = tpu.memref_slice %arg7[%dma_wait3A_81, %dma_wait3A_82] : memref<40x128xi32, #tpu.memory_space<vmem>> -> memref<1x128xi32, #tpu.memory_space<vmem>>
    %dma_wait3A_84 = tpu.memref_squeeze %dma_wait3A_83 : memref<1x128xi32, #tpu.memory_space<vmem>> -> memref<128xi32, #tpu.memory_space<vmem>>
    %dma_wait3A_85 = arith.constant 0 : i32
    %dma_wait3A_86 = arith.constant 0 : i32
    %dma_wait3A_87 = tpu.memref_slice %arg2[%dma_wait3A_85, %dma_wait3A_86] : memref<10000x128xf32, #tpu.memory_space<hbm>> -> memref<10000x128xf32, #tpu.memory_space<hbm>>
    tpu.wait_indirect_dma semaphore(%arg12 : memref<!tpu.dma_semaphore, #tpu.memory_space<semaphore_mem>>) src(%dma_wait3A_87 : memref<10000x128xf32, #tpu.memory_space<hbm>>) dst(%arg9 : memref<128x128xf32, #tpu.memory_space<vmem>>)
    %run_scoped3A_88 = arith.constant 38 : i32
    "tpu.region"() ({
      %run_scoped3A_105 = tpu.sem_alloc : memref<!tpu.dma_semaphore, #tpu.memory_space<semaphore_mem>>
      %dma_start3A_106 = arith.constant 0 : i32
      %dma_start3A_107 = tpu.memref_slice %arg8[%run_scoped3A_88, %dma_start3A_106] : memref<40x128xi32, #tpu.memory_space<vmem>> -> memref<1x128xi32, #tpu.memory_space<vmem>>
      %dma_start3A_108 = tpu.memref_squeeze %dma_start3A_107 : memref<1x128xi32, #tpu.memory_space<vmem>> -> memref<128xi32, #tpu.memory_space<vmem>>
      %dma_start3A_109 = arith.constant 0 : i32
      %dma_start3A_110 = arith.constant 0 : i32
      %dma_start3A_111 = tpu.memref_slice %arg11[%dma_start3A_109, %dma_start3A_110] : memref<10112x128xf32, #tpu.memory_space<vmem_shared>> -> memref<10112x128xf32, #tpu.memory_space<vmem_shared>>
      tpu.enqueue_indirect_dma source(%arg9 : memref<128x128xf32, #tpu.memory_space<vmem>>) target(%dma_start3A_111 : memref<10112x128xf32, #tpu.memory_space<vmem_shared>>) offsets(%dma_start3A_108 : memref<128xi32, #tpu.memory_space<vmem>>) semaphore(%run_scoped3A_105 : memref<!tpu.dma_semaphore, #tpu.memory_space<semaphore_mem>>) {add = true}
      %dma_wait3A_112 = arith.constant 0 : i32
      %dma_wait3A_113 = tpu.memref_slice %arg8[%run_scoped3A_88, %dma_wait3A_112] : memref<40x128xi32, #tpu.memory_space<vmem>> -> memref<1x128xi32, #tpu.memory_space<vmem>>
      %dma_wait3A_114 = tpu.memref_squeeze %dma_wait3A_113 : memref<1x128xi32, #tpu.memory_space<vmem>> -> memref<128xi32, #tpu.memory_space<vmem>>
      %dma_wait3A_115 = arith.constant 0 : i32
      %dma_wait3A_116 = arith.constant 0 : i32
      %dma_wait3A_117 = tpu.memref_slice %arg11[%dma_wait3A_115, %dma_wait3A_116] : memref<10112x128xf32, #tpu.memory_space<vmem_shared>> -> memref<10112x128xf32, #tpu.memory_space<vmem_shared>>
      tpu.wait_indirect_dma semaphore(%run_scoped3A_105 : memref<!tpu.dma_semaphore, #tpu.memory_space<semaphore_mem>>) src(%arg9 : memref<128x128xf32, #tpu.memory_space<vmem>>) dst(%dma_wait3A_117 : memref<10112x128xf32, #tpu.memory_space<vmem_shared>>)
      tpu.yield
    }) : () -> ()
    %dma_wait3A_89 = arith.constant 39 : i32
    %dma_wait3A_90 = arith.constant 0 : i32
    %dma_wait3A_91 = tpu.memref_slice %arg7[%dma_wait3A_89, %dma_wait3A_90] : memref<40x128xi32, #tpu.memory_space<vmem>> -> memref<1x128xi32, #tpu.memory_space<vmem>>
    %dma_wait3A_92 = tpu.memref_squeeze %dma_wait3A_91 : memref<1x128xi32, #tpu.memory_space<vmem>> -> memref<128xi32, #tpu.memory_space<vmem>>
    %dma_wait3A_93 = arith.constant 0 : i32
    %dma_wait3A_94 = arith.constant 0 : i32
    %dma_wait3A_95 = tpu.memref_slice %arg2[%dma_wait3A_93, %dma_wait3A_94] : memref<10000x128xf32, #tpu.memory_space<hbm>> -> memref<10000x128xf32, #tpu.memory_space<hbm>>
    tpu.wait_indirect_dma semaphore(%arg13 : memref<!tpu.dma_semaphore, #tpu.memory_space<semaphore_mem>>) src(%dma_wait3A_95 : memref<10000x128xf32, #tpu.memory_space<hbm>>) dst(%arg10 : memref<128x128xf32, #tpu.memory_space<vmem>>)
    %run_scoped3A_96 = arith.constant 39 : i32
    "tpu.region"() ({
      %run_scoped3A_105 = tpu.sem_alloc : memref<!tpu.dma_semaphore, #tpu.memory_space<semaphore_mem>>
      %dma_start3A_106 = arith.constant 0 : i32
      %dma_start3A_107 = tpu.memref_slice %arg8[%run_scoped3A_96, %dma_start3A_106] : memref<40x128xi32, #tpu.memory_space<vmem>> -> memref<1x128xi32, #tpu.memory_space<vmem>>
      %dma_start3A_108 = tpu.memref_squeeze %dma_start3A_107 : memref<1x128xi32, #tpu.memory_space<vmem>> -> memref<128xi32, #tpu.memory_space<vmem>>
      %dma_start3A_109 = arith.constant 0 : i32
      %dma_start3A_110 = arith.constant 0 : i32
      %dma_start3A_111 = tpu.memref_slice %arg11[%dma_start3A_109, %dma_start3A_110] : memref<10112x128xf32, #tpu.memory_space<vmem_shared>> -> memref<10112x128xf32, #tpu.memory_space<vmem_shared>>
      tpu.enqueue_indirect_dma source(%arg10 : memref<128x128xf32, #tpu.memory_space<vmem>>) target(%dma_start3A_111 : memref<10112x128xf32, #tpu.memory_space<vmem_shared>>) offsets(%dma_start3A_108 : memref<128xi32, #tpu.memory_space<vmem>>) semaphore(%run_scoped3A_105 : memref<!tpu.dma_semaphore, #tpu.memory_space<semaphore_mem>>) {add = true}
      %dma_wait3A_112 = arith.constant 0 : i32
      %dma_wait3A_113 = tpu.memref_slice %arg8[%run_scoped3A_96, %dma_wait3A_112] : memref<40x128xi32, #tpu.memory_space<vmem>> -> memref<1x128xi32, #tpu.memory_space<vmem>>
      %dma_wait3A_114 = tpu.memref_squeeze %dma_wait3A_113 : memref<1x128xi32, #tpu.memory_space<vmem>> -> memref<128xi32, #tpu.memory_space<vmem>>
      %dma_wait3A_115 = arith.constant 0 : i32
      %dma_wait3A_116 = arith.constant 0 : i32
      %dma_wait3A_117 = tpu.memref_slice %arg11[%dma_wait3A_115, %dma_wait3A_116] : memref<10112x128xf32, #tpu.memory_space<vmem_shared>> -> memref<10112x128xf32, #tpu.memory_space<vmem_shared>>
      tpu.wait_indirect_dma semaphore(%run_scoped3A_105 : memref<!tpu.dma_semaphore, #tpu.memory_space<semaphore_mem>>) src(%arg10 : memref<128x128xf32, #tpu.memory_space<vmem>>) dst(%dma_wait3A_117 : memref<10112x128xf32, #tpu.memory_space<vmem_shared>>)
      tpu.yield
    }) : () -> ()
    %barrier3A_97 = arith.constant 0 : index
    tpu.barrier barrier_id(%barrier3A_97)
    %mul3A_98 = arith.constant 632 : i32
    %mul3A_99 = arith.muli %arg1, %mul3A_98 : i32
    %mul3A_100 = arith.constant 10112 : i32
    %mul3A_101 = arith.muli %arg0, %mul3A_100 : i32
    %mul3A_102 = arith.constant 632 : i32
    %mul3A_103 = arith.muli %arg1, %mul3A_102 : i32
    %add3A_104 = arith.addi %mul3A_101, %mul3A_103 : i32
    "tpu.region"() ({
      %run_scoped3A_105 = tpu.sem_alloc : memref<!tpu.dma_semaphore, #tpu.memory_space<semaphore_mem>>
      %dma_start3A_106 = arith.constant 0 : i32
      %dma_start3A_107 = tpu.memref_slice %arg6[%add3A_104, %dma_start3A_106] : memref<20224x128xf32, #tpu.memory_space<hbm>> -> memref<632x128xf32, #tpu.memory_space<hbm>>
      %dma_start3A_108 = arith.constant 0 : i32
      %dma_start3A_109 = tpu.memref_slice %arg11[%mul3A_99, %dma_start3A_108] : memref<10112x128xf32, #tpu.memory_space<vmem_shared>> -> memref<632x128xf32, #tpu.memory_space<vmem_shared>>
      tpu.enqueue_dma source(%dma_start3A_109 : memref<632x128xf32, #tpu.memory_space<vmem_shared>>) target(%dma_start3A_107 : memref<632x128xf32, #tpu.memory_space<hbm>>) target_semaphore(%run_scoped3A_105 : memref<!tpu.dma_semaphore, #tpu.memory_space<semaphore_mem>>)
      %dma_wait3A_110 = arith.constant 0 : i32
      %dma_wait3A_111 = tpu.memref_slice %arg6[%add3A_104, %dma_wait3A_110] : memref<20224x128xf32, #tpu.memory_space<hbm>> -> memref<632x128xf32, #tpu.memory_space<hbm>>
      %dma_wait3A_112 = arith.constant 0 : i32
      %dma_wait3A_113 = tpu.memref_slice %arg11[%mul3A_99, %dma_wait3A_112] : memref<10112x128xf32, #tpu.memory_space<vmem_shared>> -> memref<632x128xf32, #tpu.memory_space<vmem_shared>>
      tpu.wait_dma2 semaphore(%run_scoped3A_105 : memref<!tpu.dma_semaphore, #tpu.memory_space<semaphore_mem>>) src(%dma_wait3A_113 : memref<632x128xf32, #tpu.memory_space<vmem_shared>>) dst(%dma_wait3A_111 : memref<632x128xf32, #tpu.memory_space<hbm>>)
      tpu.yield
    }) : () -> ()
    return
  }
}

#map = affine_map<(d0, d1) -> (0, 0)>
module attributes {stable_mosaic.version = 14 : i64} {
  func.func @_segsum_body(%arg0: i32, %arg1: i32, %arg2: memref<10000x128xf32, #tpu.memory_space<hbm>>, %arg3: memref<10112x128xf32, #tpu.memory_space<hbm>>, %arg4: memref<2560x128xi32, #tpu.memory_space<hbm>>, %arg5: memref<2560x128xi32, #tpu.memory_space<hbm>>, %arg6: memref<20224x128xf32, #tpu.memory_space<hbm>>, %arg7: memref<40x128xi32, #tpu.memory_space<vmem>>, %arg8: memref<40x128xi32, #tpu.memory_space<vmem>>, %arg9: memref<128x128xf32, #tpu.memory_space<vmem>>, %arg10: memref<128x128xf32, #tpu.memory_space<vmem>>, %arg11: memref<10112x128xf32, #tpu.memory_space<vmem_shared>>, %arg12: memref<!tpu.dma_semaphore, #tpu.memory_space<semaphore_mem>>, %arg13: memref<!tpu.dma_semaphore, #tpu.memory_space<semaphore_mem>>, %arg14: memref<!tpu.dma_semaphore, #tpu.memory_space<semaphore_mem>>, %arg15: memref<!tpu.dma_semaphore, #tpu.memory_space<semaphore_mem>>, %arg16: memref<!tpu.dma_semaphore, #tpu.memory_space<semaphore_mem>>) attributes {dimension_semantics = [#tpu.dimension_semantics<core_parallel>, #tpu.dimension_semantics<subcore_parallel>], iteration_bounds = array<i64: 2, 16>, scalar_prefetch = 0 : i64, scratch_operands = 10 : i64, tpu.core_type = #tpu.core_type<sc_vector_subcore>, window_params = [{transform_indices = #map}, {transform_indices = #map}, {transform_indices = #map}, {transform_indices = #map}, {transform_indices = #map}]} {
    %mul3A = arith.constant 16 : i32
    %mul3A_0 = arith.muli %arg0, %mul3A : i32
    %add3A = arith.addi %mul3A_0, %arg1 : i32
    %mul3A_1 = arith.constant 632 : i32
    %mul3A_2 = arith.muli %arg1, %mul3A_1 : i32
    %mul3A_3 = arith.constant 632 : i32
    %mul3A_4 = arith.muli %arg1, %mul3A_3 : i32
    %dma_start3A = arith.constant 0 : i32
    %dma_start3A_5 = tpu.memref_slice %arg11[%mul3A_4, %dma_start3A] : memref<10112x128xf32, #tpu.memory_space<vmem_shared>> -> memref<632x128xf32, #tpu.memory_space<vmem_shared>>
    %dma_start3A_6 = arith.constant 0 : i32
    %dma_start3A_7 = tpu.memref_slice %arg3[%mul3A_2, %dma_start3A_6] : memref<10112x128xf32, #tpu.memory_space<hbm>> -> memref<632x128xf32, #tpu.memory_space<hbm>>
    tpu.enqueue_dma source(%dma_start3A_7 : memref<632x128xf32, #tpu.memory_space<hbm>>) target(%dma_start3A_5 : memref<632x128xf32, #tpu.memory_space<vmem_shared>>) target_semaphore(%arg16 : memref<!tpu.dma_semaphore, #tpu.memory_space<semaphore_mem>>)
    %mul3A_8 = arith.constant 80 : i32
    %mul3A_9 = arith.muli %add3A, %mul3A_8 : i32
    %add3A_10 = arith.constant 0 : i32
    %add3A_11 = arith.addi %mul3A_9, %add3A_10 : i32
    "tpu.region"() ({
      %run_scoped3A_105 = tpu.sem_alloc : memref<!tpu.dma_semaphore, #tpu.memory_space<semaphore_mem>>
      %dma_start3A_106 = arith.constant 0 : i32
      %dma_start3A_107 = tpu.memref_slice %arg4[%add3A_11, %dma_start3A_106] : memref<2560x128xi32, #tpu.memory_space<hbm>> -> memref<40x128xi32, #tpu.memory_space<hbm>>
      %dma_start3A_108 = arith.constant 0 : i32
      %dma_start3A_109 = tpu.memref_slice %arg4[%add3A_11, %dma_start3A_108] : memref<2560x128xi32, #tpu.memory_space<hbm>> -> memref<40x128xi32, #tpu.memory_space<hbm>>
      tpu.enqueue_dma source(%dma_start3A_109 : memref<40x128xi32, #tpu.memory_space<hbm>>) target(%arg7 : memref<40x128xi32, #tpu.memory_space<vmem>>) target_semaphore(%run_scoped3A_105 : memref<!tpu.dma_semaphore, #tpu.memory_space<semaphore_mem>>)
      %dma_wait3A_110 = arith.constant 0 : i32
      %dma_wait3A_111 = tpu.memref_slice %arg4[%add3A_11, %dma_wait3A_110] : memref<2560x128xi32, #tpu.memory_space<hbm>> -> memref<40x128xi32, #tpu.memory_space<hbm>>
      %dma_wait3A_112 = arith.constant 0 : i32
      %dma_wait3A_113 = tpu.memref_slice %arg4[%add3A_11, %dma_wait3A_112] : memref<2560x128xi32, #tpu.memory_space<hbm>> -> memref<40x128xi32, #tpu.memory_space<hbm>>
      tpu.wait_dma2 semaphore(%run_scoped3A_105 : memref<!tpu.dma_semaphore, #tpu.memory_space<semaphore_mem>>) src(%dma_wait3A_113 : memref<40x128xi32, #tpu.memory_space<hbm>>) dst(%arg7 : memref<40x128xi32, #tpu.memory_space<vmem>>)
      tpu.yield
    }) : () -> ()
    %mul3A_12 = arith.constant 80 : i32
    %mul3A_13 = arith.muli %add3A, %mul3A_12 : i32
    %add3A_14 = arith.constant 0 : i32
    %add3A_15 = arith.addi %mul3A_13, %add3A_14 : i32
    "tpu.region"() ({
      %run_scoped3A_105 = tpu.sem_alloc : memref<!tpu.dma_semaphore, #tpu.memory_space<semaphore_mem>>
      %dma_start3A_106 = arith.constant 0 : i32
      %dma_start3A_107 = tpu.memref_slice %arg5[%add3A_15, %dma_start3A_106] : memref<2560x128xi32, #tpu.memory_space<hbm>> -> memref<40x128xi32, #tpu.memory_space<hbm>>
      %dma_start3A_108 = arith.constant 0 : i32
      %dma_start3A_109 = tpu.memref_slice %arg5[%add3A_15, %dma_start3A_108] : memref<2560x128xi32, #tpu.memory_space<hbm>> -> memref<40x128xi32, #tpu.memory_space<hbm>>
      tpu.enqueue_dma source(%dma_start3A_109 : memref<40x128xi32, #tpu.memory_space<hbm>>) target(%arg8 : memref<40x128xi32, #tpu.memory_space<vmem>>) target_semaphore(%run_scoped3A_105 : memref<!tpu.dma_semaphore, #tpu.memory_space<semaphore_mem>>)
      %dma_wait3A_110 = arith.constant 0 : i32
      %dma_wait3A_111 = tpu.memref_slice %arg5[%add3A_15, %dma_wait3A_110] : memref<2560x128xi32, #tpu.memory_space<hbm>> -> memref<40x128xi32, #tpu.memory_space<hbm>>
      %dma_wait3A_112 = arith.constant 0 : i32
      %dma_wait3A_113 = tpu.memref_slice %arg5[%add3A_15, %dma_wait3A_112] : memref<2560x128xi32, #tpu.memory_space<hbm>> -> memref<40x128xi32, #tpu.memory_space<hbm>>
      tpu.wait_dma2 semaphore(%run_scoped3A_105 : memref<!tpu.dma_semaphore, #tpu.memory_space<semaphore_mem>>) src(%dma_wait3A_113 : memref<40x128xi32, #tpu.memory_space<hbm>>) dst(%arg8 : memref<40x128xi32, #tpu.memory_space<vmem>>)
      tpu.yield
    }) : () -> ()
    %dma_start3A_16 = arith.constant 0 : i32
    %dma_start3A_17 = arith.constant 0 : i32
    %dma_start3A_18 = tpu.memref_slice %arg7[%dma_start3A_16, %dma_start3A_17] : memref<40x128xi32, #tpu.memory_space<vmem>> -> memref<1x128xi32, #tpu.memory_space<vmem>>
    %dma_start3A_19 = tpu.memref_squeeze %dma_start3A_18 : memref<1x128xi32, #tpu.memory_space<vmem>> -> memref<128xi32, #tpu.memory_space<vmem>>
    %dma_start3A_20 = arith.constant 0 : i32
    %dma_start3A_21 = arith.constant 0 : i32
    %dma_start3A_22 = tpu.memref_slice %arg2[%dma_start3A_20, %dma_start3A_21] : memref<10000x128xf32, #tpu.memory_space<hbm>> -> memref<10000x128xf32, #tpu.memory_space<hbm>>
    tpu.enqueue_indirect_dma source(%dma_start3A_22 : memref<10000x128xf32, #tpu.memory_space<hbm>>) target(%arg9 : memref<128x128xf32, #tpu.memory_space<vmem>>) offsets(%dma_start3A_19 : memref<128xi32, #tpu.memory_space<vmem>>) semaphore(%arg12 : memref<!tpu.dma_semaphore, #tpu.memory_space<semaphore_mem>>)
    %dma_start3A_23 = arith.constant 1 : i32
    %dma_start3A_24 = arith.constant 0 : i32
    %dma_start3A_25 = tpu.memref_slice %arg7[%dma_start3A_23, %dma_start3A_24] : memref<40x128xi32, #tpu.memory_space<vmem>> -> memref<1x128xi32, #tpu.memory_space<vmem>>
    %dma_start3A_26 = tpu.memref_squeeze %dma_start3A_25 : memref<1x128xi32, #tpu.memory_space<vmem>> -> memref<128xi32, #tpu.memory_space<vmem>>
    %dma_start3A_27 = arith.constant 0 : i32
    %dma_start3A_28 = arith.constant 0 : i32
    %dma_start3A_29 = tpu.memref_slice %arg2[%dma_start3A_27, %dma_start3A_28] : memref<10000x128xf32, #tpu.memory_space<hbm>> -> memref<10000x128xf32, #tpu.memory_space<hbm>>
    tpu.enqueue_indirect_dma source(%dma_start3A_29 : memref<10000x128xf32, #tpu.memory_space<hbm>>) target(%arg10 : memref<128x128xf32, #tpu.memory_space<vmem>>) offsets(%dma_start3A_26 : memref<128xi32, #tpu.memory_space<vmem>>) semaphore(%arg13 : memref<!tpu.dma_semaphore, #tpu.memory_space<semaphore_mem>>)
    %dma_wait3A = arith.constant 0 : i32
    %dma_wait3A_30 = tpu.memref_slice %arg11[%mul3A_4, %dma_wait3A] : memref<10112x128xf32, #tpu.memory_space<vmem_shared>> -> memref<632x128xf32, #tpu.memory_space<vmem_shared>>
    %dma_wait3A_31 = arith.constant 0 : i32
    %dma_wait3A_32 = tpu.memref_slice %arg3[%mul3A_2, %dma_wait3A_31] : memref<10112x128xf32, #tpu.memory_space<hbm>> -> memref<632x128xf32, #tpu.memory_space<hbm>>
    tpu.wait_dma2 semaphore(%arg16 : memref<!tpu.dma_semaphore, #tpu.memory_space<semaphore_mem>>) src(%dma_wait3A_32 : memref<632x128xf32, #tpu.memory_space<hbm>>) dst(%dma_wait3A_30 : memref<632x128xf32, #tpu.memory_space<vmem_shared>>)
    %barrier3A = arith.constant 0 : index
    tpu.barrier barrier_id(%barrier3A)
    %scan3A = arith.constant 0 : i32
    %scan3A_33 = arith.constant 0 : i32
    %scan3A_34 = arith.constant 19 : i32
    %scan3A_35 = arith.addi %scan3A_33, %scan3A_34 : i32
    %scan3A_36 = arith.constant 1 : i32
    scf.for %scan3A_105 = %scan3A_33 to %scan3A_35 step %scan3A_36  : i32 {
      %mul3A_106 = arith.constant 2 : i32
      %mul3A_107 = arith.muli %mul3A_106, %scan3A_105 : i32
      %add3A_108 = arith.constant 1 : i32
      %add3A_109 = arith.addi %mul3A_107, %add3A_108 : i32
      %dma_wait3A_110 = arith.constant 0 : i32
      %dma_wait3A_111 = tpu.memref_slice %arg7[%mul3A_107, %dma_wait3A_110] : memref<40x128xi32, #tpu.memory_space<vmem>> -> memref<1x128xi32, #tpu.memory_space<vmem>>
      %dma_wait3A_112 = tpu.memref_squeeze %dma_wait3A_111 : memref<1x128xi32, #tpu.memory_space<vmem>> -> memref<128xi32, #tpu.memory_space<vmem>>
      %dma_wait3A_113 = arith.constant 0 : i32
      %dma_wait3A_114 = arith.constant 0 : i32
      %dma_wait3A_115 = tpu.memref_slice %arg2[%dma_wait3A_113, %dma_wait3A_114] : memref<10000x128xf32, #tpu.memory_space<hbm>> -> memref<10000x128xf32, #tpu.memory_space<hbm>>
      tpu.wait_indirect_dma semaphore(%arg12 : memref<!tpu.dma_semaphore, #tpu.memory_space<semaphore_mem>>) src(%dma_wait3A_115 : memref<10000x128xf32, #tpu.memory_space<hbm>>) dst(%arg9 : memref<128x128xf32, #tpu.memory_space<vmem>>)
      "tpu.region"() ({
        %run_scoped3A_138 = tpu.sem_alloc : memref<!tpu.dma_semaphore, #tpu.memory_space<semaphore_mem>>
        %dma_start3A_139 = arith.constant 0 : i32
        %dma_start3A_140 = tpu.memref_slice %arg8[%mul3A_107, %dma_start3A_139] : memref<40x128xi32, #tpu.memory_space<vmem>> -> memref<1x128xi32, #tpu.memory_space<vmem>>
        %dma_start3A_141 = tpu.memref_squeeze %dma_start3A_140 : memref<1x128xi32, #tpu.memory_space<vmem>> -> memref<128xi32, #tpu.memory_space<vmem>>
        %dma_start3A_142 = arith.constant 0 : i32
        %dma_start3A_143 = arith.constant 0 : i32
        %dma_start3A_144 = tpu.memref_slice %arg11[%dma_start3A_142, %dma_start3A_143] : memref<10112x128xf32, #tpu.memory_space<vmem_shared>> -> memref<10112x128xf32, #tpu.memory_space<vmem_shared>>
        tpu.enqueue_indirect_dma source(%arg9 : memref<128x128xf32, #tpu.memory_space<vmem>>) target(%dma_start3A_144 : memref<10112x128xf32, #tpu.memory_space<vmem_shared>>) offsets(%dma_start3A_141 : memref<128xi32, #tpu.memory_space<vmem>>) semaphore(%run_scoped3A_138 : memref<!tpu.dma_semaphore, #tpu.memory_space<semaphore_mem>>) {add = true}
        %dma_wait3A_145 = arith.constant 0 : i32
        %dma_wait3A_146 = tpu.memref_slice %arg8[%mul3A_107, %dma_wait3A_145] : memref<40x128xi32, #tpu.memory_space<vmem>> -> memref<1x128xi32, #tpu.memory_space<vmem>>
        %dma_wait3A_147 = tpu.memref_squeeze %dma_wait3A_146 : memref<1x128xi32, #tpu.memory_space<vmem>> -> memref<128xi32, #tpu.memory_space<vmem>>
        %dma_wait3A_148 = arith.constant 0 : i32
        %dma_wait3A_149 = arith.constant 0 : i32
        %dma_wait3A_150 = tpu.memref_slice %arg11[%dma_wait3A_148, %dma_wait3A_149] : memref<10112x128xf32, #tpu.memory_space<vmem_shared>> -> memref<10112x128xf32, #tpu.memory_space<vmem_shared>>
        tpu.wait_indirect_dma semaphore(%run_scoped3A_138 : memref<!tpu.dma_semaphore, #tpu.memory_space<semaphore_mem>>) src(%arg9 : memref<128x128xf32, #tpu.memory_space<vmem>>) dst(%dma_wait3A_150 : memref<10112x128xf32, #tpu.memory_space<vmem_shared>>)
        tpu.yield
      }) : () -> ()
      %add3A_116 = arith.constant 2 : i32
      %add3A_117 = arith.addi %mul3A_107, %add3A_116 : i32
      %dma_start3A_118 = arith.constant 0 : i32
      %dma_start3A_119 = tpu.memref_slice %arg7[%add3A_117, %dma_start3A_118] : memref<40x128xi32, #tpu.memory_space<vmem>> -> memref<1x128xi32, #tpu.memory_space<vmem>>
      %dma_start3A_120 = tpu.memref_squeeze %dma_start3A_119 : memref<1x128xi32, #tpu.memory_space<vmem>> -> memref<128xi32, #tpu.memory_space<vmem>>
      %dma_start3A_121 = arith.constant 0 : i32
      %dma_start3A_122 = arith.constant 0 : i32
      %dma_start3A_123 = tpu.memref_slice %arg2[%dma_start3A_121, %dma_start3A_122] : memref<10000x128xf32, #tpu.memory_space<hbm>> -> memref<10000x128xf32, #tpu.memory_space<hbm>>
      tpu.enqueue_indirect_dma source(%dma_start3A_123 : memref<10000x128xf32, #tpu.memory_space<hbm>>) target(%arg9 : memref<128x128xf32, #tpu.memory_space<vmem>>) offsets(%dma_start3A_120 : memref<128xi32, #tpu.memory_space<vmem>>) semaphore(%arg12 : memref<!tpu.dma_semaphore, #tpu.memory_space<semaphore_mem>>)
      %dma_wait3A_124 = arith.constant 0 : i32
      %dma_wait3A_125 = tpu.memref_slice %arg7[%add3A_109, %dma_wait3A_124] : memref<40x128xi32, #tpu.memory_space<vmem>> -> memref<1x128xi32, #tpu.memory_space<vmem>>
      %dma_wait3A_126 = tpu.memref_squeeze %dma_wait3A_125 : memref<1x128xi32, #tpu.memory_space<vmem>> -> memref<128xi32, #tpu.memory_space<vmem>>
      %dma_wait3A_127 = arith.constant 0 : i32
      %dma_wait3A_128 = arith.constant 0 : i32
      %dma_wait3A_129 = tpu.memref_slice %arg2[%dma_wait3A_127, %dma_wait3A_128] : memref<10000x128xf32, #tpu.memory_space<hbm>> -> memref<10000x128xf32, #tpu.memory_space<hbm>>
      tpu.wait_indirect_dma semaphore(%arg13 : memref<!tpu.dma_semaphore, #tpu.memory_space<semaphore_mem>>) src(%dma_wait3A_129 : memref<10000x128xf32, #tpu.memory_space<hbm>>) dst(%arg10 : memref<128x128xf32, #tpu.memory_space<vmem>>)
      "tpu.region"() ({
        %run_scoped3A_138 = tpu.sem_alloc : memref<!tpu.dma_semaphore, #tpu.memory_space<semaphore_mem>>
        %dma_start3A_139 = arith.constant 0 : i32
        %dma_start3A_140 = tpu.memref_slice %arg8[%add3A_109, %dma_start3A_139] : memref<40x128xi32, #tpu.memory_space<vmem>> -> memref<1x128xi32, #tpu.memory_space<vmem>>
        %dma_start3A_141 = tpu.memref_squeeze %dma_start3A_140 : memref<1x128xi32, #tpu.memory_space<vmem>> -> memref<128xi32, #tpu.memory_space<vmem>>
        %dma_start3A_142 = arith.constant 0 : i32
        %dma_start3A_143 = arith.constant 0 : i32
        %dma_start3A_144 = tpu.memref_slice %arg11[%dma_start3A_142, %dma_start3A_143] : memref<10112x128xf32, #tpu.memory_space<vmem_shared>> -> memref<10112x128xf32, #tpu.memory_space<vmem_shared>>
        tpu.enqueue_indirect_dma source(%arg10 : memref<128x128xf32, #tpu.memory_space<vmem>>) target(%dma_start3A_144 : memref<10112x128xf32, #tpu.memory_space<vmem_shared>>) offsets(%dma_start3A_141 : memref<128xi32, #tpu.memory_space<vmem>>) semaphore(%run_scoped3A_138 : memref<!tpu.dma_semaphore, #tpu.memory_space<semaphore_mem>>) {add = true}
        %dma_wait3A_145 = arith.constant 0 : i32
        %dma_wait3A_146 = tpu.memref_slice %arg8[%add3A_109, %dma_wait3A_145] : memref<40x128xi32, #tpu.memory_space<vmem>> -> memref<1x128xi32, #tpu.memory_space<vmem>>
        %dma_wait3A_147 = tpu.memref_squeeze %dma_wait3A_146 : memref<1x128xi32, #tpu.memory_space<vmem>> -> memref<128xi32, #tpu.memory_space<vmem>>
        %dma_wait3A_148 = arith.constant 0 : i32
        %dma_wait3A_149 = arith.constant 0 : i32
        %dma_wait3A_150 = tpu.memref_slice %arg11[%dma_wait3A_148, %dma_wait3A_149] : memref<10112x128xf32, #tpu.memory_space<vmem_shared>> -> memref<10112x128xf32, #tpu.memory_space<vmem_shared>>
        tpu.wait_indirect_dma semaphore(%run_scoped3A_138 : memref<!tpu.dma_semaphore, #tpu.memory_space<semaphore_mem>>) src(%arg10 : memref<128x128xf32, #tpu.memory_space<vmem>>) dst(%dma_wait3A_150 : memref<10112x128xf32, #tpu.memory_space<vmem_shared>>)
        tpu.yield
      }) : () -> ()
      %add3A_130 = arith.constant 2 : i32
      %add3A_131 = arith.addi %add3A_109, %add3A_130 : i32
      %dma_start3A_132 = arith.constant 0 : i32
      %dma_start3A_133 = tpu.memref_slice %arg7[%add3A_131, %dma_start3A_132] : memref<40x128xi32, #tpu.memory_space<vmem>> -> memref<1x128xi32, #tpu.memory_space<vmem>>
      %dma_start3A_134 = tpu.memref_squeeze %dma_start3A_133 : memref<1x128xi32, #tpu.memory_space<vmem>> -> memref<128xi32, #tpu.memory_space<vmem>>
      %dma_start3A_135 = arith.constant 0 : i32
      %dma_start3A_136 = arith.constant 0 : i32
      %dma_start3A_137 = tpu.memref_slice %arg2[%dma_start3A_135, %dma_start3A_136] : memref<10000x128xf32, #tpu.memory_space<hbm>> -> memref<10000x128xf32, #tpu.memory_space<hbm>>
      tpu.enqueue_indirect_dma source(%dma_start3A_137 : memref<10000x128xf32, #tpu.memory_space<hbm>>) target(%arg10 : memref<128x128xf32, #tpu.memory_space<vmem>>) offsets(%dma_start3A_134 : memref<128xi32, #tpu.memory_space<vmem>>) semaphore(%arg13 : memref<!tpu.dma_semaphore, #tpu.memory_space<semaphore_mem>>)
    }
    %scan3A_37 = arith.constant 19 : i32
    %dma_wait3A_38 = arith.constant 38 : i32
    %dma_wait3A_39 = arith.constant 0 : i32
    %dma_wait3A_40 = tpu.memref_slice %arg7[%dma_wait3A_38, %dma_wait3A_39] : memref<40x128xi32, #tpu.memory_space<vmem>> -> memref<1x128xi32, #tpu.memory_space<vmem>>
    %dma_wait3A_41 = tpu.memref_squeeze %dma_wait3A_40 : memref<1x128xi32, #tpu.memory_space<vmem>> -> memref<128xi32, #tpu.memory_space<vmem>>
    %dma_wait3A_42 = arith.constant 0 : i32
    %dma_wait3A_43 = arith.constant 0 : i32
    %dma_wait3A_44 = tpu.memref_slice %arg2[%dma_wait3A_42, %dma_wait3A_43] : memref<10000x128xf32, #tpu.memory_space<hbm>> -> memref<10000x128xf32, #tpu.memory_space<hbm>>
    tpu.wait_indirect_dma semaphore(%arg12 : memref<!tpu.dma_semaphore, #tpu.memory_space<semaphore_mem>>) src(%dma_wait3A_44 : memref<10000x128xf32, #tpu.memory_space<hbm>>) dst(%arg9 : memref<128x128xf32, #tpu.memory_space<vmem>>)
    %run_scoped3A = arith.constant 38 : i32
    "tpu.region"() ({
      %run_scoped3A_105 = tpu.sem_alloc : memref<!tpu.dma_semaphore, #tpu.memory_space<semaphore_mem>>
      %dma_start3A_106 = arith.constant 0 : i32
      %dma_start3A_107 = tpu.memref_slice %arg8[%run_scoped3A, %dma_start3A_106] : memref<40x128xi32, #tpu.memory_space<vmem>> -> memref<1x128xi32, #tpu.memory_space<vmem>>
      %dma_start3A_108 = tpu.memref_squeeze %dma_start3A_107 : memref<1x128xi32, #tpu.memory_space<vmem>> -> memref<128xi32, #tpu.memory_space<vmem>>
      %dma_start3A_109 = arith.constant 0 : i32
      %dma_start3A_110 = arith.constant 0 : i32
      %dma_start3A_111 = tpu.memref_slice %arg11[%dma_start3A_109, %dma_start3A_110] : memref<10112x128xf32, #tpu.memory_space<vmem_shared>> -> memref<10112x128xf32, #tpu.memory_space<vmem_shared>>
      tpu.enqueue_indirect_dma source(%arg9 : memref<128x128xf32, #tpu.memory_space<vmem>>) target(%dma_start3A_111 : memref<10112x128xf32, #tpu.memory_space<vmem_shared>>) offsets(%dma_start3A_108 : memref<128xi32, #tpu.memory_space<vmem>>) semaphore(%run_scoped3A_105 : memref<!tpu.dma_semaphore, #tpu.memory_space<semaphore_mem>>) {add = true}
      %dma_wait3A_112 = arith.constant 0 : i32
      %dma_wait3A_113 = tpu.memref_slice %arg8[%run_scoped3A, %dma_wait3A_112] : memref<40x128xi32, #tpu.memory_space<vmem>> -> memref<1x128xi32, #tpu.memory_space<vmem>>
      %dma_wait3A_114 = tpu.memref_squeeze %dma_wait3A_113 : memref<1x128xi32, #tpu.memory_space<vmem>> -> memref<128xi32, #tpu.memory_space<vmem>>
      %dma_wait3A_115 = arith.constant 0 : i32
      %dma_wait3A_116 = arith.constant 0 : i32
      %dma_wait3A_117 = tpu.memref_slice %arg11[%dma_wait3A_115, %dma_wait3A_116] : memref<10112x128xf32, #tpu.memory_space<vmem_shared>> -> memref<10112x128xf32, #tpu.memory_space<vmem_shared>>
      tpu.wait_indirect_dma semaphore(%run_scoped3A_105 : memref<!tpu.dma_semaphore, #tpu.memory_space<semaphore_mem>>) src(%arg9 : memref<128x128xf32, #tpu.memory_space<vmem>>) dst(%dma_wait3A_117 : memref<10112x128xf32, #tpu.memory_space<vmem_shared>>)
      tpu.yield
    }) : () -> ()
    %dma_wait3A_45 = arith.constant 39 : i32
    %dma_wait3A_46 = arith.constant 0 : i32
    %dma_wait3A_47 = tpu.memref_slice %arg7[%dma_wait3A_45, %dma_wait3A_46] : memref<40x128xi32, #tpu.memory_space<vmem>> -> memref<1x128xi32, #tpu.memory_space<vmem>>
    %dma_wait3A_48 = tpu.memref_squeeze %dma_wait3A_47 : memref<1x128xi32, #tpu.memory_space<vmem>> -> memref<128xi32, #tpu.memory_space<vmem>>
    %dma_wait3A_49 = arith.constant 0 : i32
    %dma_wait3A_50 = arith.constant 0 : i32
    %dma_wait3A_51 = tpu.memref_slice %arg2[%dma_wait3A_49, %dma_wait3A_50] : memref<10000x128xf32, #tpu.memory_space<hbm>> -> memref<10000x128xf32, #tpu.memory_space<hbm>>
    tpu.wait_indirect_dma semaphore(%arg13 : memref<!tpu.dma_semaphore, #tpu.memory_space<semaphore_mem>>) src(%dma_wait3A_51 : memref<10000x128xf32, #tpu.memory_space<hbm>>) dst(%arg10 : memref<128x128xf32, #tpu.memory_space<vmem>>)
    %run_scoped3A_52 = arith.constant 39 : i32
    "tpu.region"() ({
      %run_scoped3A_105 = tpu.sem_alloc : memref<!tpu.dma_semaphore, #tpu.memory_space<semaphore_mem>>
      %dma_start3A_106 = arith.constant 0 : i32
      %dma_start3A_107 = tpu.memref_slice %arg8[%run_scoped3A_52, %dma_start3A_106] : memref<40x128xi32, #tpu.memory_space<vmem>> -> memref<1x128xi32, #tpu.memory_space<vmem>>
      %dma_start3A_108 = tpu.memref_squeeze %dma_start3A_107 : memref<1x128xi32, #tpu.memory_space<vmem>> -> memref<128xi32, #tpu.memory_space<vmem>>
      %dma_start3A_109 = arith.constant 0 : i32
      %dma_start3A_110 = arith.constant 0 : i32
      %dma_start3A_111 = tpu.memref_slice %arg11[%dma_start3A_109, %dma_start3A_110] : memref<10112x128xf32, #tpu.memory_space<vmem_shared>> -> memref<10112x128xf32, #tpu.memory_space<vmem_shared>>
      tpu.enqueue_indirect_dma source(%arg10 : memref<128x128xf32, #tpu.memory_space<vmem>>) target(%dma_start3A_111 : memref<10112x128xf32, #tpu.memory_space<vmem_shared>>) offsets(%dma_start3A_108 : memref<128xi32, #tpu.memory_space<vmem>>) semaphore(%run_scoped3A_105 : memref<!tpu.dma_semaphore, #tpu.memory_space<semaphore_mem>>) {add = true}
      %dma_wait3A_112 = arith.constant 0 : i32
      %dma_wait3A_113 = tpu.memref_slice %arg8[%run_scoped3A_52, %dma_wait3A_112] : memref<40x128xi32, #tpu.memory_space<vmem>> -> memref<1x128xi32, #tpu.memory_space<vmem>>
      %dma_wait3A_114 = tpu.memref_squeeze %dma_wait3A_113 : memref<1x128xi32, #tpu.memory_space<vmem>> -> memref<128xi32, #tpu.memory_space<vmem>>
      %dma_wait3A_115 = arith.constant 0 : i32
      %dma_wait3A_116 = arith.constant 0 : i32
      %dma_wait3A_117 = tpu.memref_slice %arg11[%dma_wait3A_115, %dma_wait3A_116] : memref<10112x128xf32, #tpu.memory_space<vmem_shared>> -> memref<10112x128xf32, #tpu.memory_space<vmem_shared>>
      tpu.wait_indirect_dma semaphore(%run_scoped3A_105 : memref<!tpu.dma_semaphore, #tpu.memory_space<semaphore_mem>>) src(%arg10 : memref<128x128xf32, #tpu.memory_space<vmem>>) dst(%dma_wait3A_117 : memref<10112x128xf32, #tpu.memory_space<vmem_shared>>)
      tpu.yield
    }) : () -> ()
    %mul3A_53 = arith.constant 80 : i32
    %mul3A_54 = arith.muli %add3A, %mul3A_53 : i32
    %add3A_55 = arith.constant 40 : i32
    %add3A_56 = arith.addi %mul3A_54, %add3A_55 : i32
    "tpu.region"() ({
      %run_scoped3A_105 = tpu.sem_alloc : memref<!tpu.dma_semaphore, #tpu.memory_space<semaphore_mem>>
      %dma_start3A_106 = arith.constant 0 : i32
      %dma_start3A_107 = tpu.memref_slice %arg4[%add3A_56, %dma_start3A_106] : memref<2560x128xi32, #tpu.memory_space<hbm>> -> memref<40x128xi32, #tpu.memory_space<hbm>>
      %dma_start3A_108 = arith.constant 0 : i32
      %dma_start3A_109 = tpu.memref_slice %arg4[%add3A_56, %dma_start3A_108] : memref<2560x128xi32, #tpu.memory_space<hbm>> -> memref<40x128xi32, #tpu.memory_space<hbm>>
      tpu.enqueue_dma source(%dma_start3A_109 : memref<40x128xi32, #tpu.memory_space<hbm>>) target(%arg7 : memref<40x128xi32, #tpu.memory_space<vmem>>) target_semaphore(%run_scoped3A_105 : memref<!tpu.dma_semaphore, #tpu.memory_space<semaphore_mem>>)
      %dma_wait3A_110 = arith.constant 0 : i32
      %dma_wait3A_111 = tpu.memref_slice %arg4[%add3A_56, %dma_wait3A_110] : memref<2560x128xi32, #tpu.memory_space<hbm>> -> memref<40x128xi32, #tpu.memory_space<hbm>>
      %dma_wait3A_112 = arith.constant 0 : i32
      %dma_wait3A_113 = tpu.memref_slice %arg4[%add3A_56, %dma_wait3A_112] : memref<2560x128xi32, #tpu.memory_space<hbm>> -> memref<40x128xi32, #tpu.memory_space<hbm>>
      tpu.wait_dma2 semaphore(%run_scoped3A_105 : memref<!tpu.dma_semaphore, #tpu.memory_space<semaphore_mem>>) src(%dma_wait3A_113 : memref<40x128xi32, #tpu.memory_space<hbm>>) dst(%arg7 : memref<40x128xi32, #tpu.memory_space<vmem>>)
      tpu.yield
    }) : () -> ()
    %mul3A_57 = arith.constant 80 : i32
    %mul3A_58 = arith.muli %add3A, %mul3A_57 : i32
    %add3A_59 = arith.constant 40 : i32
    %add3A_60 = arith.addi %mul3A_58, %add3A_59 : i32
    "tpu.region"() ({
      %run_scoped3A_105 = tpu.sem_alloc : memref<!tpu.dma_semaphore, #tpu.memory_space<semaphore_mem>>
      %dma_start3A_106 = arith.constant 0 : i32
      %dma_start3A_107 = tpu.memref_slice %arg5[%add3A_60, %dma_start3A_106] : memref<2560x128xi32, #tpu.memory_space<hbm>> -> memref<40x128xi32, #tpu.memory_space<hbm>>
      %dma_start3A_108 = arith.constant 0 : i32
      %dma_start3A_109 = tpu.memref_slice %arg5[%add3A_60, %dma_start3A_108] : memref<2560x128xi32, #tpu.memory_space<hbm>> -> memref<40x128xi32, #tpu.memory_space<hbm>>
      tpu.enqueue_dma source(%dma_start3A_109 : memref<40x128xi32, #tpu.memory_space<hbm>>) target(%arg8 : memref<40x128xi32, #tpu.memory_space<vmem>>) target_semaphore(%run_scoped3A_105 : memref<!tpu.dma_semaphore, #tpu.memory_space<semaphore_mem>>)
      %dma_wait3A_110 = arith.constant 0 : i32
      %dma_wait3A_111 = tpu.memref_slice %arg5[%add3A_60, %dma_wait3A_110] : memref<2560x128xi32, #tpu.memory_space<hbm>> -> memref<40x128xi32, #tpu.memory_space<hbm>>
      %dma_wait3A_112 = arith.constant 0 : i32
      %dma_wait3A_113 = tpu.memref_slice %arg5[%add3A_60, %dma_wait3A_112] : memref<2560x128xi32, #tpu.memory_space<hbm>> -> memref<40x128xi32, #tpu.memory_space<hbm>>
      tpu.wait_dma2 semaphore(%run_scoped3A_105 : memref<!tpu.dma_semaphore, #tpu.memory_space<semaphore_mem>>) src(%dma_wait3A_113 : memref<40x128xi32, #tpu.memory_space<hbm>>) dst(%arg8 : memref<40x128xi32, #tpu.memory_space<vmem>>)
      tpu.yield
    }) : () -> ()
    %dma_start3A_61 = arith.constant 0 : i32
    %dma_start3A_62 = arith.constant 0 : i32
    %dma_start3A_63 = tpu.memref_slice %arg7[%dma_start3A_61, %dma_start3A_62] : memref<40x128xi32, #tpu.memory_space<vmem>> -> memref<1x128xi32, #tpu.memory_space<vmem>>
    %dma_start3A_64 = tpu.memref_squeeze %dma_start3A_63 : memref<1x128xi32, #tpu.memory_space<vmem>> -> memref<128xi32, #tpu.memory_space<vmem>>
    %dma_start3A_65 = arith.constant 0 : i32
    %dma_start3A_66 = arith.constant 0 : i32
    %dma_start3A_67 = tpu.memref_slice %arg2[%dma_start3A_65, %dma_start3A_66] : memref<10000x128xf32, #tpu.memory_space<hbm>> -> memref<10000x128xf32, #tpu.memory_space<hbm>>
    tpu.enqueue_indirect_dma source(%dma_start3A_67 : memref<10000x128xf32, #tpu.memory_space<hbm>>) target(%arg9 : memref<128x128xf32, #tpu.memory_space<vmem>>) offsets(%dma_start3A_64 : memref<128xi32, #tpu.memory_space<vmem>>) semaphore(%arg12 : memref<!tpu.dma_semaphore, #tpu.memory_space<semaphore_mem>>)
    %dma_start3A_68 = arith.constant 1 : i32
    %dma_start3A_69 = arith.constant 0 : i32
    %dma_start3A_70 = tpu.memref_slice %arg7[%dma_start3A_68, %dma_start3A_69] : memref<40x128xi32, #tpu.memory_space<vmem>> -> memref<1x128xi32, #tpu.memory_space<vmem>>
    %dma_start3A_71 = tpu.memref_squeeze %dma_start3A_70 : memref<1x128xi32, #tpu.memory_space<vmem>> -> memref<128xi32, #tpu.memory_space<vmem>>
    %dma_start3A_72 = arith.constant 0 : i32
    %dma_start3A_73 = arith.constant 0 : i32
    %dma_start3A_74 = tpu.memref_slice %arg2[%dma_start3A_72, %dma_start3A_73] : memref<10000x128xf32, #tpu.memory_space<hbm>> -> memref<10000x128xf32, #tpu.memory_space<hbm>>
    tpu.enqueue_indirect_dma source(%dma_start3A_74 : memref<10000x128xf32, #tpu.memory_space<hbm>>) target(%arg10 : memref<128x128xf32, #tpu.memory_space<vmem>>) offsets(%dma_start3A_71 : memref<128xi32, #tpu.memory_space<vmem>>) semaphore(%arg13 : memref<!tpu.dma_semaphore, #tpu.memory_space<semaphore_mem>>)
    %scan3A_75 = arith.constant 0 : i32
    %scan3A_76 = arith.constant 0 : i32
    %scan3A_77 = arith.constant 19 : i32
    %scan3A_78 = arith.addi %scan3A_76, %scan3A_77 : i32
    %scan3A_79 = arith.constant 1 : i32
    scf.for %scan3A_105 = %scan3A_76 to %scan3A_78 step %scan3A_79  : i32 {
      %mul3A_106 = arith.constant 2 : i32
      %mul3A_107 = arith.muli %mul3A_106, %scan3A_105 : i32
      %add3A_108 = arith.constant 1 : i32
      %add3A_109 = arith.addi %mul3A_107, %add3A_108 : i32
      %dma_wait3A_110 = arith.constant 0 : i32
      %dma_wait3A_111 = tpu.memref_slice %arg7[%mul3A_107, %dma_wait3A_110] : memref<40x128xi32, #tpu.memory_space<vmem>> -> memref<1x128xi32, #tpu.memory_space<vmem>>
      %dma_wait3A_112 = tpu.memref_squeeze %dma_wait3A_111 : memref<1x128xi32, #tpu.memory_space<vmem>> -> memref<128xi32, #tpu.memory_space<vmem>>
      %dma_wait3A_113 = arith.constant 0 : i32
      %dma_wait3A_114 = arith.constant 0 : i32
      %dma_wait3A_115 = tpu.memref_slice %arg2[%dma_wait3A_113, %dma_wait3A_114] : memref<10000x128xf32, #tpu.memory_space<hbm>> -> memref<10000x128xf32, #tpu.memory_space<hbm>>
      tpu.wait_indirect_dma semaphore(%arg12 : memref<!tpu.dma_semaphore, #tpu.memory_space<semaphore_mem>>) src(%dma_wait3A_115 : memref<10000x128xf32, #tpu.memory_space<hbm>>) dst(%arg9 : memref<128x128xf32, #tpu.memory_space<vmem>>)
      "tpu.region"() ({
        %run_scoped3A_138 = tpu.sem_alloc : memref<!tpu.dma_semaphore, #tpu.memory_space<semaphore_mem>>
        %dma_start3A_139 = arith.constant 0 : i32
        %dma_start3A_140 = tpu.memref_slice %arg8[%mul3A_107, %dma_start3A_139] : memref<40x128xi32, #tpu.memory_space<vmem>> -> memref<1x128xi32, #tpu.memory_space<vmem>>
        %dma_start3A_141 = tpu.memref_squeeze %dma_start3A_140 : memref<1x128xi32, #tpu.memory_space<vmem>> -> memref<128xi32, #tpu.memory_space<vmem>>
        %dma_start3A_142 = arith.constant 0 : i32
        %dma_start3A_143 = arith.constant 0 : i32
        %dma_start3A_144 = tpu.memref_slice %arg11[%dma_start3A_142, %dma_start3A_143] : memref<10112x128xf32, #tpu.memory_space<vmem_shared>> -> memref<10112x128xf32, #tpu.memory_space<vmem_shared>>
        tpu.enqueue_indirect_dma source(%arg9 : memref<128x128xf32, #tpu.memory_space<vmem>>) target(%dma_start3A_144 : memref<10112x128xf32, #tpu.memory_space<vmem_shared>>) offsets(%dma_start3A_141 : memref<128xi32, #tpu.memory_space<vmem>>) semaphore(%run_scoped3A_138 : memref<!tpu.dma_semaphore, #tpu.memory_space<semaphore_mem>>) {add = true}
        %dma_wait3A_145 = arith.constant 0 : i32
        %dma_wait3A_146 = tpu.memref_slice %arg8[%mul3A_107, %dma_wait3A_145] : memref<40x128xi32, #tpu.memory_space<vmem>> -> memref<1x128xi32, #tpu.memory_space<vmem>>
        %dma_wait3A_147 = tpu.memref_squeeze %dma_wait3A_146 : memref<1x128xi32, #tpu.memory_space<vmem>> -> memref<128xi32, #tpu.memory_space<vmem>>
        %dma_wait3A_148 = arith.constant 0 : i32
        %dma_wait3A_149 = arith.constant 0 : i32
        %dma_wait3A_150 = tpu.memref_slice %arg11[%dma_wait3A_148, %dma_wait3A_149] : memref<10112x128xf32, #tpu.memory_space<vmem_shared>> -> memref<10112x128xf32, #tpu.memory_space<vmem_shared>>
        tpu.wait_indirect_dma semaphore(%run_scoped3A_138 : memref<!tpu.dma_semaphore, #tpu.memory_space<semaphore_mem>>) src(%arg9 : memref<128x128xf32, #tpu.memory_space<vmem>>) dst(%dma_wait3A_150 : memref<10112x128xf32, #tpu.memory_space<vmem_shared>>)
        tpu.yield
      }) : () -> ()
      %add3A_116 = arith.constant 2 : i32
      %add3A_117 = arith.addi %mul3A_107, %add3A_116 : i32
      %dma_start3A_118 = arith.constant 0 : i32
      %dma_start3A_119 = tpu.memref_slice %arg7[%add3A_117, %dma_start3A_118] : memref<40x128xi32, #tpu.memory_space<vmem>> -> memref<1x128xi32, #tpu.memory_space<vmem>>
      %dma_start3A_120 = tpu.memref_squeeze %dma_start3A_119 : memref<1x128xi32, #tpu.memory_space<vmem>> -> memref<128xi32, #tpu.memory_space<vmem>>
      %dma_start3A_121 = arith.constant 0 : i32
      %dma_start3A_122 = arith.constant 0 : i32
      %dma_start3A_123 = tpu.memref_slice %arg2[%dma_start3A_121, %dma_start3A_122] : memref<10000x128xf32, #tpu.memory_space<hbm>> -> memref<10000x128xf32, #tpu.memory_space<hbm>>
      tpu.enqueue_indirect_dma source(%dma_start3A_123 : memref<10000x128xf32, #tpu.memory_space<hbm>>) target(%arg9 : memref<128x128xf32, #tpu.memory_space<vmem>>) offsets(%dma_start3A_120 : memref<128xi32, #tpu.memory_space<vmem>>) semaphore(%arg12 : memref<!tpu.dma_semaphore, #tpu.memory_space<semaphore_mem>>)
      %dma_wait3A_124 = arith.constant 0 : i32
      %dma_wait3A_125 = tpu.memref_slice %arg7[%add3A_109, %dma_wait3A_124] : memref<40x128xi32, #tpu.memory_space<vmem>> -> memref<1x128xi32, #tpu.memory_space<vmem>>
      %dma_wait3A_126 = tpu.memref_squeeze %dma_wait3A_125 : memref<1x128xi32, #tpu.memory_space<vmem>> -> memref<128xi32, #tpu.memory_space<vmem>>
      %dma_wait3A_127 = arith.constant 0 : i32
      %dma_wait3A_128 = arith.constant 0 : i32
      %dma_wait3A_129 = tpu.memref_slice %arg2[%dma_wait3A_127, %dma_wait3A_128] : memref<10000x128xf32, #tpu.memory_space<hbm>> -> memref<10000x128xf32, #tpu.memory_space<hbm>>
      tpu.wait_indirect_dma semaphore(%arg13 : memref<!tpu.dma_semaphore, #tpu.memory_space<semaphore_mem>>) src(%dma_wait3A_129 : memref<10000x128xf32, #tpu.memory_space<hbm>>) dst(%arg10 : memref<128x128xf32, #tpu.memory_space<vmem>>)
      "tpu.region"() ({
        %run_scoped3A_138 = tpu.sem_alloc : memref<!tpu.dma_semaphore, #tpu.memory_space<semaphore_mem>>
        %dma_start3A_139 = arith.constant 0 : i32
        %dma_start3A_140 = tpu.memref_slice %arg8[%add3A_109, %dma_start3A_139] : memref<40x128xi32, #tpu.memory_space<vmem>> -> memref<1x128xi32, #tpu.memory_space<vmem>>
        %dma_start3A_141 = tpu.memref_squeeze %dma_start3A_140 : memref<1x128xi32, #tpu.memory_space<vmem>> -> memref<128xi32, #tpu.memory_space<vmem>>
        %dma_start3A_142 = arith.constant 0 : i32
        %dma_start3A_143 = arith.constant 0 : i32
        %dma_start3A_144 = tpu.memref_slice %arg11[%dma_start3A_142, %dma_start3A_143] : memref<10112x128xf32, #tpu.memory_space<vmem_shared>> -> memref<10112x128xf32, #tpu.memory_space<vmem_shared>>
        tpu.enqueue_indirect_dma source(%arg10 : memref<128x128xf32, #tpu.memory_space<vmem>>) target(%dma_start3A_144 : memref<10112x128xf32, #tpu.memory_space<vmem_shared>>) offsets(%dma_start3A_141 : memref<128xi32, #tpu.memory_space<vmem>>) semaphore(%run_scoped3A_138 : memref<!tpu.dma_semaphore, #tpu.memory_space<semaphore_mem>>) {add = true}
        %dma_wait3A_145 = arith.constant 0 : i32
        %dma_wait3A_146 = tpu.memref_slice %arg8[%add3A_109, %dma_wait3A_145] : memref<40x128xi32, #tpu.memory_space<vmem>> -> memref<1x128xi32, #tpu.memory_space<vmem>>
        %dma_wait3A_147 = tpu.memref_squeeze %dma_wait3A_146 : memref<1x128xi32, #tpu.memory_space<vmem>> -> memref<128xi32, #tpu.memory_space<vmem>>
        %dma_wait3A_148 = arith.constant 0 : i32
        %dma_wait3A_149 = arith.constant 0 : i32
        %dma_wait3A_150 = tpu.memref_slice %arg11[%dma_wait3A_148, %dma_wait3A_149] : memref<10112x128xf32, #tpu.memory_space<vmem_shared>> -> memref<10112x128xf32, #tpu.memory_space<vmem_shared>>
        tpu.wait_indirect_dma semaphore(%run_scoped3A_138 : memref<!tpu.dma_semaphore, #tpu.memory_space<semaphore_mem>>) src(%arg10 : memref<128x128xf32, #tpu.memory_space<vmem>>) dst(%dma_wait3A_150 : memref<10112x128xf32, #tpu.memory_space<vmem_shared>>)
        tpu.yield
      }) : () -> ()
      %add3A_130 = arith.constant 2 : i32
      %add3A_131 = arith.addi %add3A_109, %add3A_130 : i32
      %dma_start3A_132 = arith.constant 0 : i32
      %dma_start3A_133 = tpu.memref_slice %arg7[%add3A_131, %dma_start3A_132] : memref<40x128xi32, #tpu.memory_space<vmem>> -> memref<1x128xi32, #tpu.memory_space<vmem>>
      %dma_start3A_134 = tpu.memref_squeeze %dma_start3A_133 : memref<1x128xi32, #tpu.memory_space<vmem>> -> memref<128xi32, #tpu.memory_space<vmem>>
      %dma_start3A_135 = arith.constant 0 : i32
      %dma_start3A_136 = arith.constant 0 : i32
      %dma_start3A_137 = tpu.memref_slice %arg2[%dma_start3A_135, %dma_start3A_136] : memref<10000x128xf32, #tpu.memory_space<hbm>> -> memref<10000x128xf32, #tpu.memory_space<hbm>>
      tpu.enqueue_indirect_dma source(%dma_start3A_137 : memref<10000x128xf32, #tpu.memory_space<hbm>>) target(%arg10 : memref<128x128xf32, #tpu.memory_space<vmem>>) offsets(%dma_start3A_134 : memref<128xi32, #tpu.memory_space<vmem>>) semaphore(%arg13 : memref<!tpu.dma_semaphore, #tpu.memory_space<semaphore_mem>>)
    }
    %scan3A_80 = arith.constant 19 : i32
    %dma_wait3A_81 = arith.constant 38 : i32
    %dma_wait3A_82 = arith.constant 0 : i32
    %dma_wait3A_83 = tpu.memref_slice %arg7[%dma_wait3A_81, %dma_wait3A_82] : memref<40x128xi32, #tpu.memory_space<vmem>> -> memref<1x128xi32, #tpu.memory_space<vmem>>
    %dma_wait3A_84 = tpu.memref_squeeze %dma_wait3A_83 : memref<1x128xi32, #tpu.memory_space<vmem>> -> memref<128xi32, #tpu.memory_space<vmem>>
    %dma_wait3A_85 = arith.constant 0 : i32
    %dma_wait3A_86 = arith.constant 0 : i32
    %dma_wait3A_87 = tpu.memref_slice %arg2[%dma_wait3A_85, %dma_wait3A_86] : memref<10000x128xf32, #tpu.memory_space<hbm>> -> memref<10000x128xf32, #tpu.memory_space<hbm>>
    tpu.wait_indirect_dma semaphore(%arg12 : memref<!tpu.dma_semaphore, #tpu.memory_space<semaphore_mem>>) src(%dma_wait3A_87 : memref<10000x128xf32, #tpu.memory_space<hbm>>) dst(%arg9 : memref<128x128xf32, #tpu.memory_space<vmem>>)
    %run_scoped3A_88 = arith.constant 38 : i32
    "tpu.region"() ({
      %run_scoped3A_105 = tpu.sem_alloc : memref<!tpu.dma_semaphore, #tpu.memory_space<semaphore_mem>>
      %dma_start3A_106 = arith.constant 0 : i32
      %dma_start3A_107 = tpu.memref_slice %arg8[%run_scoped3A_88, %dma_start3A_106] : memref<40x128xi32, #tpu.memory_space<vmem>> -> memref<1x128xi32, #tpu.memory_space<vmem>>
      %dma_start3A_108 = tpu.memref_squeeze %dma_start3A_107 : memref<1x128xi32, #tpu.memory_space<vmem>> -> memref<128xi32, #tpu.memory_space<vmem>>
      %dma_start3A_109 = arith.constant 0 : i32
      %dma_start3A_110 = arith.constant 0 : i32
      %dma_start3A_111 = tpu.memref_slice %arg11[%dma_start3A_109, %dma_start3A_110] : memref<10112x128xf32, #tpu.memory_space<vmem_shared>> -> memref<10112x128xf32, #tpu.memory_space<vmem_shared>>
      tpu.enqueue_indirect_dma source(%arg9 : memref<128x128xf32, #tpu.memory_space<vmem>>) target(%dma_start3A_111 : memref<10112x128xf32, #tpu.memory_space<vmem_shared>>) offsets(%dma_start3A_108 : memref<128xi32, #tpu.memory_space<vmem>>) semaphore(%run_scoped3A_105 : memref<!tpu.dma_semaphore, #tpu.memory_space<semaphore_mem>>) {add = true}
      %dma_wait3A_112 = arith.constant 0 : i32
      %dma_wait3A_113 = tpu.memref_slice %arg8[%run_scoped3A_88, %dma_wait3A_112] : memref<40x128xi32, #tpu.memory_space<vmem>> -> memref<1x128xi32, #tpu.memory_space<vmem>>
      %dma_wait3A_114 = tpu.memref_squeeze %dma_wait3A_113 : memref<1x128xi32, #tpu.memory_space<vmem>> -> memref<128xi32, #tpu.memory_space<vmem>>
      %dma_wait3A_115 = arith.constant 0 : i32
      %dma_wait3A_116 = arith.constant 0 : i32
      %dma_wait3A_117 = tpu.memref_slice %arg11[%dma_wait3A_115, %dma_wait3A_116] : memref<10112x128xf32, #tpu.memory_space<vmem_shared>> -> memref<10112x128xf32, #tpu.memory_space<vmem_shared>>
      tpu.wait_indirect_dma semaphore(%run_scoped3A_105 : memref<!tpu.dma_semaphore, #tpu.memory_space<semaphore_mem>>) src(%arg9 : memref<128x128xf32, #tpu.memory_space<vmem>>) dst(%dma_wait3A_117 : memref<10112x128xf32, #tpu.memory_space<vmem_shared>>)
      tpu.yield
    }) : () -> ()
    %dma_wait3A_89 = arith.constant 39 : i32
    %dma_wait3A_90 = arith.constant 0 : i32
    %dma_wait3A_91 = tpu.memref_slice %arg7[%dma_wait3A_89, %dma_wait3A_90] : memref<40x128xi32, #tpu.memory_space<vmem>> -> memref<1x128xi32, #tpu.memory_space<vmem>>
    %dma_wait3A_92 = tpu.memref_squeeze %dma_wait3A_91 : memref<1x128xi32, #tpu.memory_space<vmem>> -> memref<128xi32, #tpu.memory_space<vmem>>
    %dma_wait3A_93 = arith.constant 0 : i32
    %dma_wait3A_94 = arith.constant 0 : i32
    %dma_wait3A_95 = tpu.memref_slice %arg2[%dma_wait3A_93, %dma_wait3A_94] : memref<10000x128xf32, #tpu.memory_space<hbm>> -> memref<10000x128xf32, #tpu.memory_space<hbm>>
    tpu.wait_indirect_dma semaphore(%arg13 : memref<!tpu.dma_semaphore, #tpu.memory_space<semaphore_mem>>) src(%dma_wait3A_95 : memref<10000x128xf32, #tpu.memory_space<hbm>>) dst(%arg10 : memref<128x128xf32, #tpu.memory_space<vmem>>)
    %run_scoped3A_96 = arith.constant 39 : i32
    "tpu.region"() ({
      %run_scoped3A_105 = tpu.sem_alloc : memref<!tpu.dma_semaphore, #tpu.memory_space<semaphore_mem>>
      %dma_start3A_106 = arith.constant 0 : i32
      %dma_start3A_107 = tpu.memref_slice %arg8[%run_scoped3A_96, %dma_start3A_106] : memref<40x128xi32, #tpu.memory_space<vmem>> -> memref<1x128xi32, #tpu.memory_space<vmem>>
      %dma_start3A_108 = tpu.memref_squeeze %dma_start3A_107 : memref<1x128xi32, #tpu.memory_space<vmem>> -> memref<128xi32, #tpu.memory_space<vmem>>
      %dma_start3A_109 = arith.constant 0 : i32
      %dma_start3A_110 = arith.constant 0 : i32
      %dma_start3A_111 = tpu.memref_slice %arg11[%dma_start3A_109, %dma_start3A_110] : memref<10112x128xf32, #tpu.memory_space<vmem_shared>> -> memref<10112x128xf32, #tpu.memory_space<vmem_shared>>
      tpu.enqueue_indirect_dma source(%arg10 : memref<128x128xf32, #tpu.memory_space<vmem>>) target(%dma_start3A_111 : memref<10112x128xf32, #tpu.memory_space<vmem_shared>>) offsets(%dma_start3A_108 : memref<128xi32, #tpu.memory_space<vmem>>) semaphore(%run_scoped3A_105 : memref<!tpu.dma_semaphore, #tpu.memory_space<semaphore_mem>>) {add = true}
      %dma_wait3A_112 = arith.constant 0 : i32
      %dma_wait3A_113 = tpu.memref_slice %arg8[%run_scoped3A_96, %dma_wait3A_112] : memref<40x128xi32, #tpu.memory_space<vmem>> -> memref<1x128xi32, #tpu.memory_space<vmem>>
      %dma_wait3A_114 = tpu.memref_squeeze %dma_wait3A_113 : memref<1x128xi32, #tpu.memory_space<vmem>> -> memref<128xi32, #tpu.memory_space<vmem>>
      %dma_wait3A_115 = arith.constant 0 : i32
      %dma_wait3A_116 = arith.constant 0 : i32
      %dma_wait3A_117 = tpu.memref_slice %arg11[%dma_wait3A_115, %dma_wait3A_116] : memref<10112x128xf32, #tpu.memory_space<vmem_shared>> -> memref<10112x128xf32, #tpu.memory_space<vmem_shared>>
      tpu.wait_indirect_dma semaphore(%run_scoped3A_105 : memref<!tpu.dma_semaphore, #tpu.memory_space<semaphore_mem>>) src(%arg10 : memref<128x128xf32, #tpu.memory_space<vmem>>) dst(%dma_wait3A_117 : memref<10112x128xf32, #tpu.memory_space<vmem_shared>>)
      tpu.yield
    }) : () -> ()
    %barrier3A_97 = arith.constant 0 : index
    tpu.barrier barrier_id(%barrier3A_97)
    %mul3A_98 = arith.constant 632 : i32
    %mul3A_99 = arith.muli %arg1, %mul3A_98 : i32
    %mul3A_100 = arith.constant 10112 : i32
    %mul3A_101 = arith.muli %arg0, %mul3A_100 : i32
    %mul3A_102 = arith.constant 632 : i32
    %mul3A_103 = arith.muli %arg1, %mul3A_102 : i32
    %add3A_104 = arith.addi %mul3A_101, %mul3A_103 : i32
    "tpu.region"() ({
      %run_scoped3A_105 = tpu.sem_alloc : memref<!tpu.dma_semaphore, #tpu.memory_space<semaphore_mem>>
      %dma_start3A_106 = arith.constant 0 : i32
      %dma_start3A_107 = tpu.memref_slice %arg6[%add3A_104, %dma_start3A_106] : memref<20224x128xf32, #tpu.memory_space<hbm>> -> memref<632x128xf32, #tpu.memory_space<hbm>>
      %dma_start3A_108 = arith.constant 0 : i32
      %dma_start3A_109 = tpu.memref_slice %arg11[%mul3A_99, %dma_start3A_108] : memref<10112x128xf32, #tpu.memory_space<vmem_shared>> -> memref<632x128xf32, #tpu.memory_space<vmem_shared>>
      tpu.enqueue_dma source(%dma_start3A_109 : memref<632x128xf32, #tpu.memory_space<vmem_shared>>) target(%dma_start3A_107 : memref<632x128xf32, #tpu.memory_space<hbm>>) target_semaphore(%run_scoped3A_105 : memref<!tpu.dma_semaphore, #tpu.memory_space<semaphore_mem>>)
      %dma_wait3A_110 = arith.constant 0 : i32
      %dma_wait3A_111 = tpu.memref_slice %arg6[%add3A_104, %dma_wait3A_110] : memref<20224x128xf32, #tpu.memory_space<hbm>> -> memref<632x128xf32, #tpu.memory_space<hbm>>
      %dma_wait3A_112 = arith.constant 0 : i32
      %dma_wait3A_113 = tpu.memref_slice %arg11[%mul3A_99, %dma_wait3A_112] : memref<10112x128xf32, #tpu.memory_space<vmem_shared>> -> memref<632x128xf32, #tpu.memory_space<vmem_shared>>
      tpu.wait_dma2 semaphore(%run_scoped3A_105 : memref<!tpu.dma_semaphore, #tpu.memory_space<semaphore_mem>>) src(%dma_wait3A_113 : memref<632x128xf32, #tpu.memory_space<vmem_shared>>) dst(%dma_wait3A_111 : memref<632x128xf32, #tpu.memory_space<hbm>>)
      tpu.yield
    }) : () -> ()
    return
  }
}

module attributes {stable_mosaic.version = 14 : i64} {
  func.func @_emb_msg_body(%arg0: i32, %arg1: memref<2000x128xf32, #tpu.memory_space<vmem>>, %arg2: memref<128x128xf32, #tpu.memory_space<vmem>>, %arg3: memref<1x128xf32, #tpu.memory_space<vmem>>, %arg4: memref<128x128xf32, #tpu.memory_space<vmem>>, %arg5: memref<1x128xf32, #tpu.memory_space<vmem>>, %arg6: memref<2000x128xf32, #tpu.memory_space<vmem>>, %arg7: memref<2000x128xf32, #tpu.memory_space<vmem>>) attributes {dimension_semantics = [#tpu.dimension_semantics<arbitrary>], iteration_bounds = array<i64: 5>, scalar_prefetch = 0 : i64, scratch_operands = 0 : i64, tpu.core_type = #tpu.core_type<tc>, window_params = [{transform_indices = @transform_0, window_bounds = array<i64: 2000, 128>}, {pipeline_mode = #tpu.pipeline_mode<synchronous>, transform_indices = @transform_1, window_bounds = array<i64: 128, 128>}, {pipeline_mode = #tpu.pipeline_mode<synchronous>, transform_indices = @transform_2, window_bounds = array<i64: 1, 128>}, {pipeline_mode = #tpu.pipeline_mode<synchronous>, transform_indices = @transform_3, window_bounds = array<i64: 128, 128>}, {pipeline_mode = #tpu.pipeline_mode<synchronous>, transform_indices = @transform_4, window_bounds = array<i64: 1, 128>}, {transform_indices = @transform_5, window_bounds = array<i64: 2000, 128>}, {transform_indices = @transform_6, window_bounds = array<i64: 2000, 128>}]} {
    %get3A = arith.constant 0 : index
    %get3A_0 = arith.constant 0 : index
    %get3A_1 = vector.load %arg1[%get3A, %get3A_0] : memref<2000x128xf32, #tpu.memory_space<vmem>>, vector<2000x128xf32>
    %get3A_2 = arith.constant 0 : index
    %get3A_3 = arith.constant 0 : index
    %get3A_4 = vector.load %arg2[%get3A_2, %get3A_3] : memref<128x128xf32, #tpu.memory_space<vmem>>, vector<128x128xf32>
    %dot_general3A = arith.constant dense<0.000000e+00> : vector<2000x128xf32>
    %dot_general3A_5 = tpu.matmul %get3A_1, %get3A_4, %dot_general3A {dimension_numbers = #tpu.dot_dimension_numbers<[1], [0], [0], [1], [0, 0, 1, 1], [], []>, transpose_lhs_hint = false} : vector<2000x128xf32>, vector<128x128xf32>, vector<2000x128xf32> -> vector<2000x128xf32>
    %get3A_6 = arith.constant 0 : index
    %get3A_7 = arith.constant 0 : index
    %get3A_8 = vector.load %arg3[%get3A_6, %get3A_7] : memref<1x128xf32, #tpu.memory_space<vmem>>, vector<1x128xf32>
    %add3A = vector.broadcast %get3A_8 : vector<1x128xf32> to vector<2000x128xf32>
    %add3A_9 = arith.addf %dot_general3A_5, %add3A : vector<2000x128xf32>
    %swap3A = arith.constant 0 : index
    %swap3A_10 = arith.constant 0 : index
    %swap3A_11 = vector.load %arg6[%swap3A, %swap3A_10] : memref<2000x128xf32, #tpu.memory_space<vmem>>, vector<2000x128xf32>
    tpu.vector_store %arg6[%swap3A, %swap3A_10], %add3A_9 {strides = array<i32>} : memref<2000x128xf32, #tpu.memory_space<vmem>>, vector<2000x128xf32>,
    %get3A_12 = arith.constant 0 : index
    %get3A_13 = arith.constant 0 : index
    %get3A_14 = vector.load %arg4[%get3A_12, %get3A_13] : memref<128x128xf32, #tpu.memory_space<vmem>>, vector<128x128xf32>
    %dot_general3A_15 = arith.constant dense<0.000000e+00> : vector<2000x128xf32>
    %dot_general3A_16 = tpu.matmul %add3A_9, %get3A_14, %dot_general3A_15 {dimension_numbers = #tpu.dot_dimension_numbers<[1], [0], [0], [1], [0, 0, 1, 1], [], []>, transpose_lhs_hint = false} : vector<2000x128xf32>, vector<128x128xf32>, vector<2000x128xf32> -> vector<2000x128xf32>
    %get3A_17 = arith.constant 0 : index
    %get3A_18 = arith.constant 0 : index
    %get3A_19 = vector.load %arg5[%get3A_17, %get3A_18] : memref<1x128xf32, #tpu.memory_space<vmem>>, vector<1x128xf32>
    %add3A_20 = vector.broadcast %get3A_19 : vector<1x128xf32> to vector<2000x128xf32>
    %add3A_21 = arith.addf %dot_general3A_16, %add3A_20 : vector<2000x128xf32>
    %swap3A_22 = arith.constant 0 : index
    %swap3A_23 = arith.constant 0 : index
    %swap3A_24 = vector.load %arg7[%swap3A_22, %swap3A_23] : memref<2000x128xf32, #tpu.memory_space<vmem>>, vector<2000x128xf32>
    tpu.vector_store %arg7[%swap3A_22, %swap3A_23], %add3A_21 {strides = array<i32>} : memref<2000x128xf32, #tpu.memory_space<vmem>>, vector<2000x128xf32>,
    return
  }
  func.func @transform_0(%arg0: i32) -> (i32, i32) {
    %c0_i32 = arith.constant 0 : i32
    %c0_i32_0 = arith.constant 0 : i32
    return %arg0, %c0_i32 : i32, i32
  }
  func.func @transform_1(%arg0: i32) -> (i32, i32) {
    %c0_i32 = arith.constant 0 : i32
    %c0_i32_0 = arith.constant 0 : i32
    %c0_i32_1 = arith.constant 0 : i32
    return %c0_i32, %c0_i32_0 : i32, i32
  }
  func.func @transform_2(%arg0: i32) -> (i32, i32) {
    %c0_i32 = arith.constant 0 : i32
    %c0_i32_0 = arith.constant 0 : i32
    %c0_i32_1 = arith.constant 0 : i32
    return %c0_i32, %c0_i32_0 : i32, i32
  }
  func.func @transform_3(%arg0: i32) -> (i32, i32) {
    %c0_i32 = arith.constant 0 : i32
    %c0_i32_0 = arith.constant 0 : i32
    %c0_i32_1 = arith.constant 0 : i32
    return %c0_i32, %c0_i32_0 : i32, i32
  }
  func.func @transform_4(%arg0: i32) -> (i32, i32) {
    %c0_i32 = arith.constant 0 : i32
    %c0_i32_0 = arith.constant 0 : i32
    %c0_i32_1 = arith.constant 0 : i32
    return %c0_i32, %c0_i32_0 : i32, i32
  }
  func.func @transform_5(%arg0: i32) -> (i32, i32) {
    %c0_i32 = arith.constant 0 : i32
    %c0_i32_0 = arith.constant 0 : i32
    return %arg0, %c0_i32 : i32, i32
  }
  func.func @transform_6(%arg0: i32) -> (i32, i32) {
    %c0_i32 = arith.constant 0 : i32
    %c0_i32_0 = arith.constant 0 : i32
    return %arg0, %c0_i32 : i32, i32
  }
}

module attributes {stable_mosaic.version = 14 : i64} {
  func.func @_gru_msg_body(%arg0: i32, %arg1: memref<2x2000x128xf32, #tpu.memory_space<vmem>>, %arg2: memref<2000x128xf32, #tpu.memory_space<vmem>>, %arg3: memref<128x384xf32, #tpu.memory_space<vmem>>, %arg4: memref<128x384xf32, #tpu.memory_space<vmem>>, %arg5: memref<1x384xf32, #tpu.memory_space<vmem>>, %arg6: memref<1x384xf32, #tpu.memory_space<vmem>>, %arg7: memref<128x128xf32, #tpu.memory_space<vmem>>, %arg8: memref<1x128xf32, #tpu.memory_space<vmem>>, %arg9: memref<2000x128xf32, #tpu.memory_space<vmem>>, %arg10: memref<2000x128xf32, #tpu.memory_space<vmem>>) attributes {dimension_semantics = [#tpu.dimension_semantics<arbitrary>], iteration_bounds = array<i64: 5>, scalar_prefetch = 0 : i64, scratch_operands = 0 : i64, tpu.core_type = #tpu.core_type<tc>, window_params = [{transform_indices = @transform_0, window_bounds = array<i64: 2, 2000, 128>}, {transform_indices = @transform_1, window_bounds = array<i64: 2000, 128>}, {pipeline_mode = #tpu.pipeline_mode<synchronous>, transform_indices = @transform_2, window_bounds = array<i64: 128, 384>}, {pipeline_mode = #tpu.pipeline_mode<synchronous>, transform_indices = @transform_3, window_bounds = array<i64: 128, 384>}, {pipeline_mode = #tpu.pipeline_mode<synchronous>, transform_indices = @transform_4, window_bounds = array<i64: 1, 384>}, {pipeline_mode = #tpu.pipeline_mode<synchronous>, transform_indices = @transform_5, window_bounds = array<i64: 1, 384>}, {pipeline_mode = #tpu.pipeline_mode<synchronous>, transform_indices = @transform_6, window_bounds = array<i64: 128, 128>}, {pipeline_mode = #tpu.pipeline_mode<synchronous>, transform_indices = @transform_7, window_bounds = array<i64: 1, 128>}, {transform_indices = @transform_8, window_bounds = array<i64: 2000, 128>}, {transform_indices = @transform_9, window_bounds = array<i64: 2000, 128>}]} {
    %get3A = arith.constant 0 : index
    %get3A_0 = arith.constant 0 : index
    %get3A_1 = arith.constant 0 : index
    %get3A_2 = vector.load %arg1[%get3A, %get3A_0, %get3A_1] : memref<2x2000x128xf32, #tpu.memory_space<vmem>>, vector<1x2000x128xf32>
    %get3A_3 = vector.shape_cast %get3A_2 : vector<1x2000x128xf32> to vector<2000x128xf32>
    %get3A_4 = arith.constant 1 : index
    %get3A_5 = arith.constant 0 : index
    %get3A_6 = arith.constant 0 : index
    %get3A_7 = vector.load %arg1[%get3A_4, %get3A_5, %get3A_6] : memref<2x2000x128xf32, #tpu.memory_space<vmem>>, vector<1x2000x128xf32>
    %get3A_8 = vector.shape_cast %get3A_7 : vector<1x2000x128xf32> to vector<2000x128xf32>
    %add3A = arith.addf %get3A_3, %get3A_8 : vector<2000x128xf32>
    %get3A_9 = arith.constant 0 : index
    %get3A_10 = arith.constant 0 : index
    %get3A_11 = vector.load %arg2[%get3A_9, %get3A_10] : memref<2000x128xf32, #tpu.memory_space<vmem>>, vector<2000x128xf32>
    %get3A_12 = arith.constant 0 : index
    %get3A_13 = arith.constant 0 : index
    %get3A_14 = vector.load %arg3[%get3A_12, %get3A_13] : memref<128x384xf32, #tpu.memory_space<vmem>>, vector<128x384xf32>
    %get3A_15 = arith.constant 0 : index
    %get3A_16 = arith.constant 0 : index
    %get3A_17 = vector.load %arg4[%get3A_15, %get3A_16] : memref<128x384xf32, #tpu.memory_space<vmem>>, vector<128x384xf32>
    %get3A_18 = arith.constant 0 : index
    %get3A_19 = arith.constant 0 : index
    %get3A_20 = vector.load %arg5[%get3A_18, %get3A_19] : memref<1x384xf32, #tpu.memory_space<vmem>>, vector<1x384xf32>
    %get3A_21 = arith.constant 0 : index
    %get3A_22 = arith.constant 0 : index
    %get3A_23 = vector.load %arg6[%get3A_21, %get3A_22] : memref<1x384xf32, #tpu.memory_space<vmem>>, vector<1x384xf32>
    %dot_general3A = arith.constant dense<0.000000e+00> : vector<2000x384xf32>
    %dot_general3A_24 = tpu.matmul %add3A, %get3A_14, %dot_general3A {dimension_numbers = #tpu.dot_dimension_numbers<[1], [0], [0], [1], [0, 0, 1, 1], [], []>, transpose_lhs_hint = false} : vector<2000x128xf32>, vector<128x384xf32>, vector<2000x384xf32> -> vector<2000x384xf32>
    %add3A_25 = vector.broadcast %get3A_20 : vector<1x384xf32> to vector<2000x384xf32>
    %add3A_26 = arith.addf %dot_general3A_24, %add3A_25 : vector<2000x384xf32>
    %dot_general3A_27 = arith.constant dense<0.000000e+00> : vector<2000x384xf32>
    %dot_general3A_28 = tpu.matmul %get3A_11, %get3A_17, %dot_general3A_27 {dimension_numbers = #tpu.dot_dimension_numbers<[1], [0], [0], [1], [0, 0, 1, 1], [], []>, transpose_lhs_hint = false} : vector<2000x128xf32>, vector<128x384xf32>, vector<2000x384xf32> -> vector<2000x384xf32>
    %add3A_29 = vector.broadcast %get3A_23 : vector<1x384xf32> to vector<2000x384xf32>
    %add3A_30 = arith.addf %dot_general3A_28, %add3A_29 : vector<2000x384xf32>
    %slice3A = vector.extract_strided_slice %add3A_26 {offsets = [0, 0], sizes = [2000, 128], strides = [1, 1]} : vector<2000x384xf32> to vector<2000x128xf32>
    %slice3A_31 = vector.extract_strided_slice %add3A_30 {offsets = [0, 0], sizes = [2000, 128], strides = [1, 1]} : vector<2000x384xf32> to vector<2000x128xf32>
    %add3A_32 = arith.addf %slice3A, %slice3A_31 : vector<2000x128xf32>
    %neg3A = arith.constant 0.000000e+00 : f32
    %neg3A_33 = vector.broadcast %neg3A : f32 to vector<2000x128xf32>
    %neg3A_34 = arith.subf %neg3A_33, %add3A_32 : vector<2000x128xf32>
    %exp3A = math.exp %neg3A_34 : vector<2000x128xf32>
    %add3A_35 = arith.constant 1.000000e+00 : f32
    %add3A_36 = vector.broadcast %add3A_35 : f32 to vector<2000x128xf32>
    %add3A_37 = arith.addf %add3A_36, %exp3A : vector<2000x128xf32>
    %div3A = arith.constant 1.000000e+00 : f32
    %div3A_38 = vector.broadcast %div3A : f32 to vector<2000x128xf32>
    %div3A_39 = arith.divf %div3A_38, %add3A_37 : vector<2000x128xf32>
    %slice3A_40 = vector.extract_strided_slice %add3A_26 {offsets = [0, 128], sizes = [2000, 128], strides = [1, 1]} : vector<2000x384xf32> to vector<2000x128xf32>
    %slice3A_41 = vector.extract_strided_slice %add3A_30 {offsets = [0, 128], sizes = [2000, 128], strides = [1, 1]} : vector<2000x384xf32> to vector<2000x128xf32>
    %add3A_42 = arith.addf %slice3A_40, %slice3A_41 : vector<2000x128xf32>
    %neg3A_43 = arith.constant 0.000000e+00 : f32
    %neg3A_44 = vector.broadcast %neg3A_43 : f32 to vector<2000x128xf32>
    %neg3A_45 = arith.subf %neg3A_44, %add3A_42 : vector<2000x128xf32>
    %exp3A_46 = math.exp %neg3A_45 : vector<2000x128xf32>
    %add3A_47 = arith.constant 1.000000e+00 : f32
    %add3A_48 = vector.broadcast %add3A_47 : f32 to vector<2000x128xf32>
    %add3A_49 = arith.addf %add3A_48, %exp3A_46 : vector<2000x128xf32>
    %div3A_50 = arith.constant 1.000000e+00 : f32
    %div3A_51 = vector.broadcast %div3A_50 : f32 to vector<2000x128xf32>
    %div3A_52 = arith.divf %div3A_51, %add3A_49 : vector<2000x128xf32>
    %slice3A_53 = vector.extract_strided_slice %add3A_26 {offsets = [0, 256], sizes = [2000, 128], strides = [1, 1]} : vector<2000x384xf32> to vector<2000x128xf32>
    %slice3A_54 = vector.extract_strided_slice %add3A_30 {offsets = [0, 256], sizes = [2000, 128], strides = [1, 1]} : vector<2000x384xf32> to vector<2000x128xf32>
    %mul3A = arith.mulf %div3A_39, %slice3A_54 : vector<2000x128xf32>
    %add3A_55 = arith.addf %slice3A_53, %mul3A : vector<2000x128xf32>
    %tanh3A = math.tanh %add3A_55 : vector<2000x128xf32>
    %sub3A = arith.constant 1.000000e+00 : f32
    %sub3A_56 = vector.broadcast %sub3A : f32 to vector<2000x128xf32>
    %sub3A_57 = arith.subf %sub3A_56, %div3A_52 : vector<2000x128xf32>
    %mul3A_58 = arith.mulf %sub3A_57, %tanh3A : vector<2000x128xf32>
    %mul3A_59 = arith.mulf %div3A_52, %get3A_11 : vector<2000x128xf32>
    %add3A_60 = arith.addf %mul3A_58, %mul3A_59 : vector<2000x128xf32>
    %gt3A = arith.constant 0.000000e+00 : f32
    %gt3A_61 = vector.broadcast %gt3A : f32 to vector<2000x128xf32>
    %gt3A_62 = arith.cmpf ogt, %add3A_60, %gt3A_61 : vector<2000x128xf32>
    %exp3A_63 = math.exp %add3A_60 : vector<2000x128xf32>
    %sub3A_64 = arith.constant 1.000000e+00 : f32
    %sub3A_65 = vector.broadcast %sub3A_64 : f32 to vector<2000x128xf32>
    %sub3A_66 = arith.subf %exp3A_63, %sub3A_65 : vector<2000x128xf32>
    %select_n3A = arith.select %gt3A_62, %add3A_60, %sub3A_66 : vector<2000x128xi1>, vector<2000x128xf32>
    %swap3A = arith.constant 0 : index
    %swap3A_67 = arith.constant 0 : index
    %swap3A_68 = vector.load %arg9[%swap3A, %swap3A_67] : memref<2000x128xf32, #tpu.memory_space<vmem>>, vector<2000x128xf32>
    tpu.vector_store %arg9[%swap3A, %swap3A_67], %select_n3A {strides = array<i32>} : memref<2000x128xf32, #tpu.memory_space<vmem>>, vector<2000x128xf32>,
    %get3A_69 = arith.constant 0 : index
    %get3A_70 = arith.constant 0 : index
    %get3A_71 = vector.load %arg7[%get3A_69, %get3A_70] : memref<128x128xf32, #tpu.memory_space<vmem>>, vector<128x128xf32>
    %dot_general3A_72 = arith.constant dense<0.000000e+00> : vector<2000x128xf32>
    %dot_general3A_73 = tpu.matmul %select_n3A, %get3A_71, %dot_general3A_72 {dimension_numbers = #tpu.dot_dimension_numbers<[1], [0], [0], [1], [0, 0, 1, 1], [], []>, transpose_lhs_hint = false} : vector<2000x128xf32>, vector<128x128xf32>, vector<2000x128xf32> -> vector<2000x128xf32>
    %get3A_74 = arith.constant 0 : index
    %get3A_75 = arith.constant 0 : index
    %get3A_76 = vector.load %arg8[%get3A_74, %get3A_75] : memref<1x128xf32, #tpu.memory_space<vmem>>, vector<1x128xf32>
    %add3A_77 = vector.broadcast %get3A_76 : vector<1x128xf32> to vector<2000x128xf32>
    %add3A_78 = arith.addf %dot_general3A_73, %add3A_77 : vector<2000x128xf32>
    %swap3A_79 = arith.constant 0 : index
    %swap3A_80 = arith.constant 0 : index
    %swap3A_81 = vector.load %arg10[%swap3A_79, %swap3A_80] : memref<2000x128xf32, #tpu.memory_space<vmem>>, vector<2000x128xf32>
    tpu.vector_store %arg10[%swap3A_79, %swap3A_80], %add3A_78 {strides = array<i32>} : memref<2000x128xf32, #tpu.memory_space<vmem>>, vector<2000x128xf32>,
    return
  }
  func.func @transform_0(%arg0: i32) -> (i32, i32, i32) {
    %c0_i32 = arith.constant 0 : i32
    %c0_i32_0 = arith.constant 0 : i32
    %c0_i32_1 = arith.constant 0 : i32
    return %c0_i32, %arg0, %c0_i32_0 : i32, i32, i32
  }
  func.func @transform_1(%arg0: i32) -> (i32, i32) {
    %c0_i32 = arith.constant 0 : i32
    %c0_i32_0 = arith.constant 0 : i32
    return %arg0, %c0_i32 : i32, i32
  }
  func.func @transform_2(%arg0: i32) -> (i32, i32) {
    %c0_i32 = arith.constant 0 : i32
    %c0_i32_0 = arith.constant 0 : i32
    %c0_i32_1 = arith.constant 0 : i32
    return %c0_i32, %c0_i32_0 : i32, i32
  }
  func.func @transform_3(%arg0: i32) -> (i32, i32) {
    %c0_i32 = arith.constant 0 : i32
    %c0_i32_0 = arith.constant 0 : i32
    %c0_i32_1 = arith.constant 0 : i32
    return %c0_i32, %c0_i32_0 : i32, i32
  }
  func.func @transform_4(%arg0: i32) -> (i32, i32) {
    %c0_i32 = arith.constant 0 : i32
    %c0_i32_0 = arith.constant 0 : i32
    %c0_i32_1 = arith.constant 0 : i32
    return %c0_i32, %c0_i32_0 : i32, i32
  }
  func.func @transform_5(%arg0: i32) -> (i32, i32) {
    %c0_i32 = arith.constant 0 : i32
    %c0_i32_0 = arith.constant 0 : i32
    %c0_i32_1 = arith.constant 0 : i32
    return %c0_i32, %c0_i32_0 : i32, i32
  }
  func.func @transform_6(%arg0: i32) -> (i32, i32) {
    %c0_i32 = arith.constant 0 : i32
    %c0_i32_0 = arith.constant 0 : i32
    %c0_i32_1 = arith.constant 0 : i32
    return %c0_i32, %c0_i32_0 : i32, i32
  }
  func.func @transform_7(%arg0: i32) -> (i32, i32) {
    %c0_i32 = arith.constant 0 : i32
    %c0_i32_0 = arith.constant 0 : i32
    %c0_i32_1 = arith.constant 0 : i32
    return %c0_i32, %c0_i32_0 : i32, i32
  }
  func.func @transform_8(%arg0: i32) -> (i32, i32) {
    %c0_i32 = arith.constant 0 : i32
    %c0_i32_0 = arith.constant 0 : i32
    return %arg0, %c0_i32 : i32, i32
  }
  func.func @transform_9(%arg0: i32) -> (i32, i32) {
    %c0_i32 = arith.constant 0 : i32
    %c0_i32_0 = arith.constant 0 : i32
    return %arg0, %c0_i32 : i32, i32
  }
}

module attributes {stable_mosaic.version = 14 : i64} {
  func.func @_gru_out_body(%arg0: i32, %arg1: memref<2x2000x128xf32, #tpu.memory_space<vmem>>, %arg2: memref<2000x128xf32, #tpu.memory_space<vmem>>, %arg3: memref<128x384xf32, #tpu.memory_space<vmem>>, %arg4: memref<128x384xf32, #tpu.memory_space<vmem>>, %arg5: memref<1x384xf32, #tpu.memory_space<vmem>>, %arg6: memref<1x384xf32, #tpu.memory_space<vmem>>, %arg7: memref<128x40xf32, #tpu.memory_space<vmem>>, %arg8: memref<1x40xf32, #tpu.memory_space<vmem>>, %arg9: memref<2000x40xf32, #tpu.memory_space<vmem>>) attributes {dimension_semantics = [#tpu.dimension_semantics<arbitrary>], iteration_bounds = array<i64: 5>, scalar_prefetch = 0 : i64, scratch_operands = 0 : i64, tpu.core_type = #tpu.core_type<tc>, window_params = [{transform_indices = @transform_0, window_bounds = array<i64: 2, 2000, 128>}, {transform_indices = @transform_1, window_bounds = array<i64: 2000, 128>}, {pipeline_mode = #tpu.pipeline_mode<synchronous>, transform_indices = @transform_2, window_bounds = array<i64: 128, 384>}, {pipeline_mode = #tpu.pipeline_mode<synchronous>, transform_indices = @transform_3, window_bounds = array<i64: 128, 384>}, {pipeline_mode = #tpu.pipeline_mode<synchronous>, transform_indices = @transform_4, window_bounds = array<i64: 1, 384>}, {pipeline_mode = #tpu.pipeline_mode<synchronous>, transform_indices = @transform_5, window_bounds = array<i64: 1, 384>}, {pipeline_mode = #tpu.pipeline_mode<synchronous>, transform_indices = @transform_6, window_bounds = array<i64: 128, 40>}, {pipeline_mode = #tpu.pipeline_mode<synchronous>, transform_indices = @transform_7, window_bounds = array<i64: 1, 40>}, {transform_indices = @transform_8, window_bounds = array<i64: 2000, 40>}]} {
    %get3A = arith.constant 0 : index
    %get3A_0 = arith.constant 0 : index
    %get3A_1 = arith.constant 0 : index
    %get3A_2 = vector.load %arg1[%get3A, %get3A_0, %get3A_1] : memref<2x2000x128xf32, #tpu.memory_space<vmem>>, vector<1x2000x128xf32>
    %get3A_3 = vector.shape_cast %get3A_2 : vector<1x2000x128xf32> to vector<2000x128xf32>
    %get3A_4 = arith.constant 1 : index
    %get3A_5 = arith.constant 0 : index
    %get3A_6 = arith.constant 0 : index
    %get3A_7 = vector.load %arg1[%get3A_4, %get3A_5, %get3A_6] : memref<2x2000x128xf32, #tpu.memory_space<vmem>>, vector<1x2000x128xf32>
    %get3A_8 = vector.shape_cast %get3A_7 : vector<1x2000x128xf32> to vector<2000x128xf32>
    %add3A = arith.addf %get3A_3, %get3A_8 : vector<2000x128xf32>
    %get3A_9 = arith.constant 0 : index
    %get3A_10 = arith.constant 0 : index
    %get3A_11 = vector.load %arg2[%get3A_9, %get3A_10] : memref<2000x128xf32, #tpu.memory_space<vmem>>, vector<2000x128xf32>
    %get3A_12 = arith.constant 0 : index
    %get3A_13 = arith.constant 0 : index
    %get3A_14 = vector.load %arg3[%get3A_12, %get3A_13] : memref<128x384xf32, #tpu.memory_space<vmem>>, vector<128x384xf32>
    %get3A_15 = arith.constant 0 : index
    %get3A_16 = arith.constant 0 : index
    %get3A_17 = vector.load %arg4[%get3A_15, %get3A_16] : memref<128x384xf32, #tpu.memory_space<vmem>>, vector<128x384xf32>
    %get3A_18 = arith.constant 0 : index
    %get3A_19 = arith.constant 0 : index
    %get3A_20 = vector.load %arg5[%get3A_18, %get3A_19] : memref<1x384xf32, #tpu.memory_space<vmem>>, vector<1x384xf32>
    %get3A_21 = arith.constant 0 : index
    %get3A_22 = arith.constant 0 : index
    %get3A_23 = vector.load %arg6[%get3A_21, %get3A_22] : memref<1x384xf32, #tpu.memory_space<vmem>>, vector<1x384xf32>
    %dot_general3A = arith.constant dense<0.000000e+00> : vector<2000x384xf32>
    %dot_general3A_24 = tpu.matmul %add3A, %get3A_14, %dot_general3A {dimension_numbers = #tpu.dot_dimension_numbers<[1], [0], [0], [1], [0, 0, 1, 1], [], []>, transpose_lhs_hint = false} : vector<2000x128xf32>, vector<128x384xf32>, vector<2000x384xf32> -> vector<2000x384xf32>
    %add3A_25 = vector.broadcast %get3A_20 : vector<1x384xf32> to vector<2000x384xf32>
    %add3A_26 = arith.addf %dot_general3A_24, %add3A_25 : vector<2000x384xf32>
    %dot_general3A_27 = arith.constant dense<0.000000e+00> : vector<2000x384xf32>
    %dot_general3A_28 = tpu.matmul %get3A_11, %get3A_17, %dot_general3A_27 {dimension_numbers = #tpu.dot_dimension_numbers<[1], [0], [0], [1], [0, 0, 1, 1], [], []>, transpose_lhs_hint = false} : vector<2000x128xf32>, vector<128x384xf32>, vector<2000x384xf32> -> vector<2000x384xf32>
    %add3A_29 = vector.broadcast %get3A_23 : vector<1x384xf32> to vector<2000x384xf32>
    %add3A_30 = arith.addf %dot_general3A_28, %add3A_29 : vector<2000x384xf32>
    %slice3A = vector.extract_strided_slice %add3A_26 {offsets = [0, 0], sizes = [2000, 128], strides = [1, 1]} : vector<2000x384xf32> to vector<2000x128xf32>
    %slice3A_31 = vector.extract_strided_slice %add3A_30 {offsets = [0, 0], sizes = [2000, 128], strides = [1, 1]} : vector<2000x384xf32> to vector<2000x128xf32>
    %add3A_32 = arith.addf %slice3A, %slice3A_31 : vector<2000x128xf32>
    %neg3A = arith.constant 0.000000e+00 : f32
    %neg3A_33 = vector.broadcast %neg3A : f32 to vector<2000x128xf32>
    %neg3A_34 = arith.subf %neg3A_33, %add3A_32 : vector<2000x128xf32>
    %exp3A = math.exp %neg3A_34 : vector<2000x128xf32>
    %add3A_35 = arith.constant 1.000000e+00 : f32
    %add3A_36 = vector.broadcast %add3A_35 : f32 to vector<2000x128xf32>
    %add3A_37 = arith.addf %add3A_36, %exp3A : vector<2000x128xf32>
    %div3A = arith.constant 1.000000e+00 : f32
    %div3A_38 = vector.broadcast %div3A : f32 to vector<2000x128xf32>
    %div3A_39 = arith.divf %div3A_38, %add3A_37 : vector<2000x128xf32>
    %slice3A_40 = vector.extract_strided_slice %add3A_26 {offsets = [0, 128], sizes = [2000, 128], strides = [1, 1]} : vector<2000x384xf32> to vector<2000x128xf32>
    %slice3A_41 = vector.extract_strided_slice %add3A_30 {offsets = [0, 128], sizes = [2000, 128], strides = [1, 1]} : vector<2000x384xf32> to vector<2000x128xf32>
    %add3A_42 = arith.addf %slice3A_40, %slice3A_41 : vector<2000x128xf32>
    %neg3A_43 = arith.constant 0.000000e+00 : f32
    %neg3A_44 = vector.broadcast %neg3A_43 : f32 to vector<2000x128xf32>
    %neg3A_45 = arith.subf %neg3A_44, %add3A_42 : vector<2000x128xf32>
    %exp3A_46 = math.exp %neg3A_45 : vector<2000x128xf32>
    %add3A_47 = arith.constant 1.000000e+00 : f32
    %add3A_48 = vector.broadcast %add3A_47 : f32 to vector<2000x128xf32>
    %add3A_49 = arith.addf %add3A_48, %exp3A_46 : vector<2000x128xf32>
    %div3A_50 = arith.constant 1.000000e+00 : f32
    %div3A_51 = vector.broadcast %div3A_50 : f32 to vector<2000x128xf32>
    %div3A_52 = arith.divf %div3A_51, %add3A_49 : vector<2000x128xf32>
    %slice3A_53 = vector.extract_strided_slice %add3A_26 {offsets = [0, 256], sizes = [2000, 128], strides = [1, 1]} : vector<2000x384xf32> to vector<2000x128xf32>
    %slice3A_54 = vector.extract_strided_slice %add3A_30 {offsets = [0, 256], sizes = [2000, 128], strides = [1, 1]} : vector<2000x384xf32> to vector<2000x128xf32>
    %mul3A = arith.mulf %div3A_39, %slice3A_54 : vector<2000x128xf32>
    %add3A_55 = arith.addf %slice3A_53, %mul3A : vector<2000x128xf32>
    %tanh3A = math.tanh %add3A_55 : vector<2000x128xf32>
    %sub3A = arith.constant 1.000000e+00 : f32
    %sub3A_56 = vector.broadcast %sub3A : f32 to vector<2000x128xf32>
    %sub3A_57 = arith.subf %sub3A_56, %div3A_52 : vector<2000x128xf32>
    %mul3A_58 = arith.mulf %sub3A_57, %tanh3A : vector<2000x128xf32>
    %mul3A_59 = arith.mulf %div3A_52, %get3A_11 : vector<2000x128xf32>
    %add3A_60 = arith.addf %mul3A_58, %mul3A_59 : vector<2000x128xf32>
    %gt3A = arith.constant 0.000000e+00 : f32
    %gt3A_61 = vector.broadcast %gt3A : f32 to vector<2000x128xf32>
    %gt3A_62 = arith.cmpf ogt, %add3A_60, %gt3A_61 : vector<2000x128xf32>
    %exp3A_63 = math.exp %add3A_60 : vector<2000x128xf32>
    %sub3A_64 = arith.constant 1.000000e+00 : f32
    %sub3A_65 = vector.broadcast %sub3A_64 : f32 to vector<2000x128xf32>
    %sub3A_66 = arith.subf %exp3A_63, %sub3A_65 : vector<2000x128xf32>
    %select_n3A = arith.select %gt3A_62, %add3A_60, %sub3A_66 : vector<2000x128xi1>, vector<2000x128xf32>
    %get3A_67 = arith.constant 0 : index
    %get3A_68 = arith.constant 0 : index
    %get3A_69 = vector.load %arg7[%get3A_67, %get3A_68] : memref<128x40xf32, #tpu.memory_space<vmem>>, vector<128x40xf32>
    %dot_general3A_70 = arith.constant dense<0.000000e+00> : vector<2000x40xf32>
    %dot_general3A_71 = tpu.matmul %select_n3A, %get3A_69, %dot_general3A_70 {dimension_numbers = #tpu.dot_dimension_numbers<[1], [0], [0], [1], [0, 0, 1, 1], [], []>, transpose_lhs_hint = false} : vector<2000x128xf32>, vector<128x40xf32>, vector<2000x40xf32> -> vector<2000x40xf32>
    %get3A_72 = arith.constant 0 : index
    %get3A_73 = arith.constant 0 : index
    %get3A_74 = vector.load %arg8[%get3A_72, %get3A_73] : memref<1x40xf32, #tpu.memory_space<vmem>>, vector<1x40xf32>
    %add3A_75 = vector.broadcast %get3A_74 : vector<1x40xf32> to vector<2000x40xf32>
    %add3A_76 = arith.addf %dot_general3A_71, %add3A_75 : vector<2000x40xf32>
    %reduce_max3A = arith.constant dense<0xFF800000> : vector<2000xf32>
    %reduce_max3A_77 = vector.multi_reduction <maximumf>, %add3A_76, %reduce_max3A [1] : vector<2000x40xf32> to vector<2000xf32>
    %broadcast_in_dim3A = vector.shape_cast %reduce_max3A_77 : vector<2000xf32> to vector<2000x1xf32>
    %sub3A_78 = vector.broadcast %broadcast_in_dim3A : vector<2000x1xf32> to vector<2000x40xf32>
    %sub3A_79 = arith.subf %add3A_76, %sub3A_78 : vector<2000x40xf32>
    %exp3A_80 = math.exp %sub3A_79 : vector<2000x40xf32>
    %reduce_sum3A = arith.constant dense<0.000000e+00> : vector<2000xf32>
    %reduce_sum3A_81 = vector.multi_reduction <add>, %exp3A_80, %reduce_sum3A [1] : vector<2000x40xf32> to vector<2000xf32>
    %broadcast_in_dim3A_82 = vector.shape_cast %reduce_sum3A_81 : vector<2000xf32> to vector<2000x1xf32>
    %log3A = math.log %broadcast_in_dim3A_82 : vector<2000x1xf32>
    %sub3A_83 = vector.broadcast %log3A : vector<2000x1xf32> to vector<2000x40xf32>
    %sub3A_84 = arith.subf %sub3A_79, %sub3A_83 : vector<2000x40xf32>
    %swap3A = arith.constant 0 : index
    %swap3A_85 = arith.constant 0 : index
    %swap3A_86 = vector.load %arg9[%swap3A, %swap3A_85] : memref<2000x40xf32, #tpu.memory_space<vmem>>, vector<2000x40xf32>
    tpu.vector_store %arg9[%swap3A, %swap3A_85], %sub3A_84 {strides = array<i32>} : memref<2000x40xf32, #tpu.memory_space<vmem>>, vector<2000x40xf32>,
    return
  }
  func.func @transform_0(%arg0: i32) -> (i32, i32, i32) {
    %c0_i32 = arith.constant 0 : i32
    %c0_i32_0 = arith.constant 0 : i32
    %c0_i32_1 = arith.constant 0 : i32
    return %c0_i32, %arg0, %c0_i32_0 : i32, i32, i32
  }
  func.func @transform_1(%arg0: i32) -> (i32, i32) {
    %c0_i32 = arith.constant 0 : i32
    %c0_i32_0 = arith.constant 0 : i32
    return %arg0, %c0_i32 : i32, i32
  }
  func.func @transform_2(%arg0: i32) -> (i32, i32) {
    %c0_i32 = arith.constant 0 : i32
    %c0_i32_0 = arith.constant 0 : i32
    %c0_i32_1 = arith.constant 0 : i32
    return %c0_i32, %c0_i32_0 : i32, i32
  }
  func.func @transform_3(%arg0: i32) -> (i32, i32) {
    %c0_i32 = arith.constant 0 : i32
    %c0_i32_0 = arith.constant 0 : i32
    %c0_i32_1 = arith.constant 0 : i32
    return %c0_i32, %c0_i32_0 : i32, i32
  }
  func.func @transform_4(%arg0: i32) -> (i32, i32) {
    %c0_i32 = arith.constant 0 : i32
    %c0_i32_0 = arith.constant 0 : i32
    %c0_i32_1 = arith.constant 0 : i32
    return %c0_i32, %c0_i32_0 : i32, i32
  }
  func.func @transform_5(%arg0: i32) -> (i32, i32) {
    %c0_i32 = arith.constant 0 : i32
    %c0_i32_0 = arith.constant 0 : i32
    %c0_i32_1 = arith.constant 0 : i32
    return %c0_i32, %c0_i32_0 : i32, i32
  }
  func.func @transform_6(%arg0: i32) -> (i32, i32) {
    %c0_i32 = arith.constant 0 : i32
    %c0_i32_0 = arith.constant 0 : i32
    %c0_i32_1 = arith.constant 0 : i32
    return %c0_i32, %c0_i32_0 : i32, i32
  }
  func.func @transform_7(%arg0: i32) -> (i32, i32) {
    %c0_i32 = arith.constant 0 : i32
    %c0_i32_0 = arith.constant 0 : i32
    %c0_i32_1 = arith.constant 0 : i32
    return %c0_i32, %c0_i32_0 : i32, i32
  }
  func.func @transform_8(%arg0: i32) -> (i32, i32) {
    %c0_i32 = arith.constant 0 : i32
    %c0_i32_0 = arith.constant 0 : i32
    return %arg0, %c0_i32 : i32, i32
  }
}

</mosaic_0001>

<sc_bundles>
// kernel: kernel.10.cloned.1.call-start
scs
__scs_entry_jumppad:
0x0: {  	(pc) =	sbr.rel $0x88, $3  }
0x1: {  	(tag) =	ssettag $0x0;
	lr =	simm.s32 $0x1  }
0x2: {  	[smem:$0x3F8F] =	sst lr;
	_ =	strace $0xD0000000  }
0x3: {  	_ = 	snop  }
0x4: {  	_ = 	snop  }
0x5: {  	_ = 	snop  }
0x6: {  	_ = 	snop  }
0x7: {  	_ = 	snop  }
__scs_overlays_trampoline_lowered:
0x8: {  	[smem:$0x3F9E] =	sst s0  }
0x9: {  	[smem:$0x3F9F] =	sst s1  }
0xa: {  	[smem:$0x3FA0] =	sst s2  }
0xb: {  	[smem:$0x3FA1] =	sst s3  }
0xc: {  	[smem:$0x3FA2] =	sst s4  }
0xd: {  	[smem:$0x3FA3] =	sst s5  }
0xe: {  	[smem:$0x3FA4] =	sst s6  }
0xf: {  	[smem:$0x3FA5] =	sst s7  }
0x10: {  	[smem:$0x3FA6] =	sst s8  }
0x11: {  	[smem:$0x3FA7] =	sst s9;
	s0 =	simm.s32 @!p0 $0x0  }
0x12: {  	s1 =	sld [smem:$0x3F8D];
	s0 =	simm.s32 @p0 $0x1  }
0x13: {  	[smem:$0x3FA8] =	sst s0;
	s0 =	simm.s32 @!p1 $0x0  }
0x14: {  	s2 =	sld [smem:$0x3F8C];
	s0 =	simm.s32 @p1 $0x1  }
0x15: {  	[smem:$0x3FA9] =	sst s0;
	s0 =	simm.s32 @!p2 $0x0  }
0x16: {  	s3 =	sld [smem:$0x3FDB];
	s0 =	simm.s32 @p2 $0x1  }
0x17: {  	s4 =	simm.s32 $0x1BF5;
	[smem:$0x3FAB] =	sst s0  }
0x18: {  	s0 =	sld [smem:$0x3F8E];
	_ =	swait.ge [sflag:s4], $0x0  }
0x19: {  	s7 =	sld [smem:$0x3F8F]  }
0x1a: {  	s8 =	sadd.s32 $0xFFFFE003, lr  }
0x1b: {  	s9 =	sadd.s32 $0xFFFFFEF7, lr;
	s5 =	simm.s32 $0xFFFFFFFF;
	p2 =	slt.u32 s8, $0xFFFFF086  }
0x1c: {  	p1 =	slt.u32 s9, $0xF7A;
	s5 =	simm.s32 @!p2 $0x0  }
0x1d: {  	s5 =	simm.s32 @p1 $0x1;
	p0 =	seq.s32 s7, s2  }
0x1e: {  	s7 =	smul.u32 @!p0 $0xF7A, s2;
	p2 =	seq.s32 @!p0 s5, $0x0  }
0x1f: {  	s9 =	smul.u32 $0xF7A, s1;
	s8 =	simm.s32 @!p0 $0x1BF5;
	p2 =	por !p2, p0  }
0x20: {  	[sflag:s8] =	ssyncset.s32 @!p0 $0xFFFFF086;
	s6 =	sadd.s32 @!p0 s3, s7;
	s7 =	simm.s32 @!p0 $0x108  }
0x21: {  	s3 =	sadd.s32 s3, s9;
	s6 =	sadd.s32 @!p0 $0x88, s6;
	s7 =	simm.s32 @p2 $0x1082  }
0x22: {  	[simem:s7], [sflag:s8] =	dma.local @!p0 [hbm:s6], $0xF7A  }
0x23: {  	s9 =	sor.u32 $0xD0000000, s2;
	s6 =	simm.s32 $0x108;
	_ =	swait.ge @!p0 [sflag:s8], $0x0  }
0x24: {  	s3 =	sadd.s32 $0x88, s3;
	s6 =	simm.s32 @!p1 $0x1082;
	[sflag:s4] =	ssyncset.s32 $0xFFFFF086  }
0x25: {  	[simem:s6], [sflag:s4] =	dma.local [hbm:s3], $0xF7A  }
0x26: {  	[smem:$0x3F8F] =	sst s1;
	(tag) =	ssettag s2;
	_ =	strace s9  }
0x27: {  	s1 =	sld [smem:$0x3F9F]  }
0x28: {  	s2 =	sld [smem:$0x3FA0]  }
0x29: {  	s4 =	sld [smem:$0x3FA2]  }
0x2a: {  	p0 =	seq.s32 s5, $0x0;
	s5 =	sld [smem:$0x3FA3]  }
0x2b: {  	s6 =	sld [smem:$0x3FA4]  }
0x2c: {  	s7 =	sld [smem:$0x3FA5]  }
0x2d: {  	s3 =	simm.s32 $0x108;
	s8 =	sld [smem:$0x3FA6]  }
0x2e: {  	s3 =	simm.s32 @!p0 $0x1082;
	s9 =	sld [smem:$0x3FA7]  }
0x2f: {  	lr =	sadd.s32 s0, s3;
	s0 =	sld [smem:$0x3F9E]  }
0x30: {  	s3 =	sld [smem:$0x3FA1]  }
0x31: {  	[smem:$0x3FAA] =	sst s10  }
0x32: {  	s10 =	sld [smem:$0x3FA8];
	_ =	sdelay $0x3  }
0x33: {  	p0 =	seq.s32 s10, $0x1;
	s10 =	sld [smem:$0x3FAA];
	_ =	sdelay $0x3  }
0x34: {  	[smem:$0x3FAA] =	sst s10  }
0x35: {  	s10 =	sld [smem:$0x3FA9];
	_ =	sdelay $0x3  }
0x36: {  	p1 =	seq.s32 s10, $0x1;
	s10 =	sld [smem:$0x3FAA];
	_ =	sdelay $0x3  }
0x37: {  	[smem:$0x3FAA] =	sst s10  }
0x38: {  	s10 =	sld [smem:$0x3FAB]  }
0x39: {  	_ = 	snop;
	(pc) =	sbr.ind lr, $3  }
0x3a: {  	_ = 	snop  }
0x3b: {  	_ = 	snop  }
0x3c: {  	p2 =	seq.s32 s10, $0x1;
	s10 =	sld [smem:$0x3FAA]  }
0x3d: {  	_ =	shalt  }
0x3e: {  	_ =	shalt  }
0x3f: {  	_ =	shalt  }
0x40: {  	_ =	shalt  }
0x41: {  	_ =	shalt  }
0x42: {  	_ =	shalt  }
0x43: {  	_ =	shalt  }
0x44: {  	_ =	shalt  }
0x45: {  	_ =	shalt  }
0x46: {  	_ =	shalt  }
0x47: {  	_ =	shalt  }
0x48: {  	_ =	shalt  }
0x49: {  	_ =	shalt  }
0x4a: {  	_ =	shalt  }
0x4b: {  	_ =	shalt  }
0x4c: {  	_ =	shalt  }
0x4d: {  	_ =	shalt  }
0x4e: {  	_ =	shalt  }
0x4f: {  	_ =	shalt  }
0x50: {  	_ =	shalt  }
0x51: {  	_ =	shalt  }
0x52: {  	_ =	shalt  }
0x53: {  	_ =	shalt  }
0x54: {  	_ =	shalt  }
0x55: {  	_ =	shalt  }
0x56: {  	_ =	shalt  }
0x57: {  	_ =	shalt  }
0x58: {  	_ =	shalt  }
0x59: {  	_ =	shalt  }
0x5a: {  	_ =	shalt  }
0x5b: {  	_ =	shalt  }
0x5c: {  	_ =	shalt  }
0x5d: {  	_ =	shalt  }
0x5e: {  	_ =	shalt  }
0x5f: {  	_ =	shalt  }
0x60: {  	_ =	shalt  }
0x61: {  	_ =	shalt  }
0x62: {  	_ =	shalt  }
0x63: {  	_ =	shalt  }
0x64: {  	_ =	shalt  }
0x65: {  	_ =	shalt  }
0x66: {  	_ =	shalt  }
0x67: {  	_ =	shalt  }
0x68: {  	_ =	shalt  }
0x69: {  	_ =	shalt  }
0x6a: {  	_ =	shalt  }
0x6b: {  	_ =	shalt  }
0x6c: {  	_ =	shalt  }
0x6d: {  	_ =	shalt  }
0x6e: {  	_ =	shalt  }
0x6f: {  	_ =	shalt  }
0x70: {  	_ =	shalt  }
0x71: {  	_ =	shalt  }
0x72: {  	_ =	shalt  }
0x73: {  	_ =	shalt  }
0x74: {  	_ =	shalt  }
0x75: {  	_ =	shalt  }
0x76: {  	_ =	shalt  }
0x77: {  	_ =	shalt  }
0x78: {  	_ =	shalt  }
0x79: {  	_ =	shalt  }
0x7a: {  	_ =	shalt  }
0x7b: {  	_ =	shalt  }
0x7c: {  	_ =	shalt  }
0x7d: {  	_ =	shalt  }
0x7e: {  	_ =	shalt  }
0x7f: {  	_ =	shalt  }
0x80: {  	_ =	shalt  }
0x81: {  	_ =	shalt  }
0x82: {  	_ =	shalt  }
0x83: {  	_ =	shalt  }
0x84: {  	_ =	shalt  }
0x85: {  	_ =	shalt  }
0x86: {  	_ =	shalt  }
0x87: {  	_ =	shalt  }
.Lfunc_end0:
.L_simem_size_0:
called_computation.1_lowered:
.L_overlay_start_0:
0x88: {  	s2 =	sld [smem:$0x3FD9]  }
0x89: {  	s3 =	sld [smem:$0x3FFE];
	_ =	sdelay $0x1  }
0x8a: {  	s1 =	srdreg.scid  }
0x8b: {  	s0 =	sand.u32 $0x1, s1  }
0x8c: {  	s17 =	sshll.u32 s0, $0xA;
	s2 =	sadd.s32 s3, s2  }
0x8d: {  	s2 =	sadd.s32 s2, s17  }
0x8e: {  	[smem:$0x3FB6] =	sst s2  }
0x8f: {  	_ = 	snop  }
0x90: {  	s2 =	sld [smem:$0x3FD0];
	(tm) =	ssettm $0x1  }
0x91: {  	s18 =	sld [smem:$0x3FFB];
	_ =	sdelay $0x3  }
0x92: {  	_ =	strace s18  }
0x93: {  	s3 =	sld [smem:$0x3FFC];
	_ =	sdelay $0x3  }
0x94: {  	_ =	strace s3  }
0x95: {  	s3 =	sld [smem:$0x3FFD];
	_ =	sdelay $0x3  }
0x96: {  	_ =	strace s3  }
0x97: {  	_ =	strace $0x8FFFFFFF  }
0x98: {  	s19 =	sld [smem:$0x3FDB];
	_ =	sdelay $0x1  }
0x99: {  	s4 =	simm.s32 $_scs_section_size  }
0x9a: {  	s5 =	simm.s32 $_size__tile_overlayer_lowered;
	s6 =	simm.s32 $_tile_overlayer_lowered  }
0x9b: {  	s22 =	simm.s32 $0x1BFF;
	s21 =	sshll.u32 s6, $0x1;
	s3 =	sadd.s32 s4, s19  }
0x9c: {  	s7 =	simm.s32 $0x0;
	s20 =	sshll.u32 s5, $0x1;
	s5 =	sadd.s32 s21, s3  }
0x9d: {  	[timem:s7], [sflag:s22] =	dma.local [hbm:s5], s20  }
0x9e: {  	_ =	swait.ge [sflag:s22], s20  }
0x9f: {  	s4 =	ssub.s32 $0x0, s20;
	[sflag:s22] =	ssyncset.done $0x0  }
0xa0: {  	[sflag:s22] =	ssyncadd.s32 s4;
	_ =	sdelay $0x1  }
0xa1: {  	s23 =	simm.s32 $0x1B8B  }
0xa2: {  	_ =	swait.ge [sflag:s23], $0x1  }
0xa3: {  	[sflag:s23] =	ssyncset.done $0x0  }
0xa4: {  	s25 =	simm.s32 $0x1B8E;
	s24 =	sld [smem:$0x3FFE];
	[sflag:s23] =	ssyncadd.s32 $0xFFFFFFFF  }
0xa5: {  	s26 =	simm.s32 $execute0_lowered;
	[smem:$0x3FD2] =	sst s25  }
0xa6: {  	s5 =	sshll.u32 s26, $0x1;
	_ =	strace $0x80000049;
	[dreg:$0x1] =	wrdreg $0xFFFFFFFF  }
0xa7: {  	s28 =	simm.s32 $_size_execute0_lowered;
	s3 =	sadd.s32 s3, s5;
	[dreg:$0x0] =	wrdreg $0x0  }
0xa8: {  	s5 =	sshll.u32 s28, $0x1;
	[dreg:$0x2] =	wrdreg s3  }
0xa9: {  	[dreg:$0x3] =	wrdreg s5  }
0xaa: {  	[dreg:$0x4] =	wrdreg $0xC0  }
0xab: {  	_ =	task [dreg:s7], $0x5FFFF  }
0xac: {  	[dreg:$0x1] =	wrdreg $0xFFFFFFFF  }
0xad: {  	[dreg:$0x0] =	wrdreg $0x60  }
0xae: {  	[dreg:$0x2] =	wrdreg s24  }
0xaf: {  	[dreg:$0x3] =	wrdreg s2  }
0xb0: {  	[dreg:$0x4] =	wrdreg $0xA8000  }
0xb1: {  	[dreg:$0x5] =	wrdreg $0x9  }
0xb2: {  	_ =	task.clear_ibuf [dreg:s7], $0x6FFFF;
	_ =	strace $0x90000049  }
0xb3: {  	s29 =	simm.s32 $0x9;
	_ =	strace $0x8000004B  }
0xb4: {  	_ =	swait.ge [sflag:s29], $0x1  }
0xb5: {  	[sflag:s29] =	ssyncadd.s32 $0xFFFFFFFF  }
0xb6: {  	_ =	strace $0x9000004B  }
0xb7: {  	_ =	sfence  }
0xb8: {  	s30 =	sld [smem:$0x0];
	_ =	sdelay $0x2  }
0xb9: {  	s31 =	sshll.u32 s1, $0xD;
	s1 =	sshrl.u32 s1, $0x2  }
0xba: {  	s3 =	sand.u32 $0x4000, s31;
	s1 =	sadd.s32 s1, s30  }
0xbb: {  	s0 =	sor.u32 s3, s0;
	s1 =	sshll.u32 s1, $0x11  }
0xbc: {  	s0 =	sor.u32 s1, s0  }
0xbd: {  	s0 =	sadd.s32 $0x8F2B, s0  }
0xbe: {  	[sflag:s0] =	ssyncadd.remote.s32 $0x1  }
0xbf: {  	_ =	sfence.sel $0xFFFF  }
0xc0: {  	[dreg:$0x0] =	wrdreg $0xFFFFFFFF;
	(pc) =	sbr.abs _section_cstart, $3  }
0xc1: {  	[dreg:$0x1] =	wrdreg $0xFFFFFFFF  }
0xc2: {  	_ =	task.clear_ibuf [dreg:s7], $0x2FFFF;
	_ =	strace $0x9FFFFFFF  }
0xc3: {  	(tm) =	ssettm $0x7FFFFFFF  }
tec
execute0_lowered:
.L_overlay_start_1:
0x0: {  	(tag) =	ssettag $0x1  }
0x1: {  	s5 =	rddreg [dreg:$0x0]  }
0x2: {  	s10 =	rddreg [dreg:$0x1]  }
0x3: {  	s2 =	rddreg [dreg:$0x2]  }
0x4: {  	s0 =	rddreg [dreg:$0x3];
	s3 =	simm.s32 $0x0  }
0x5: {  	s1 =	stileid.u32;
	s4 =	srdreg.scid;
	s18 =	simm.s32 $0x2800  }
0x6: {  	s19 =	simm.s32 $0x6800;
	s20 =	simm.s32 $0x3;
	s21 =	simm.s32 $0x1  }
0x7: {  	s22 =	simm.s32 $0x2;
	s23 =	simm.s32 $0x2700;
	s24 =	simm.s32 $0x2780  }
0x8: {  	s25 =	simm.s32 $0x0;
	[smem:$0x7FF] =	sst s3;
	s6 =	smul.u32 $0x2780, s1  }
0x9: {  	s7 =	sand.u32 $0x1, s4;
	s4 =	sadd.s32 $0xD000, s5;
	s13 =	smul.u32 $0x4F000, s1  }
0xa: {  	s11 =	sadd.s32 $0x3000, s5;
	_ =	strace $0x8000004A;
	s9 =	smul.u32 $0x27800, s7  }
0xb: {  	s12 =	sshll.u32 s7, $0x4;
	s7 =	ssub.s32 $0x2, s7;
	s8 =	sadd.s32 s6, s5  }
0xc: {  	s29 =	sor.u32 s1, s12;
	s30 =	sshrl.u32 s7, $0x1;
	s13 =	sshrl.u32 s13, $0x2  }
0xd: {  	s6 =	sadd.s32 s6, s9;
	s14 =	smul.u32 $0x2800, s29;
	s16 =	ssub.s32 s7, s30  }
0xe: {  	s17 =	sadd.s32 s13, s2;
	s9 =	smul.u32 $0x500, s29;
	s15 =	sadd.s32 s6, s5  }
0xf: {  	s5 =	sshll.u32 s1, $0x6;
	s6 =	sadd.s32 $0x34200, s8;
	s13 =	smax.u32 s16, $0x1  }
0x10: {  	s16 =	simm.s32 $0x1400;
	s31 =	sshrl.u32 s14, $0x3;
	s7 =	sor.u32 $0x1C03, s5  }
0x11: {  	s8 =	sadd.s32 s10, s9;
	s9 =	sadd.s32 s11, s9;
	s12 =	sadd.s32 $0x280, s31  }
0x12: {  	s14 =	sshrl.u32 s17, $0x3;
	s17 =	simm.s32 $0x80;
	s10 =	sadd.s32 s10, s12  }
0x13: {  	s11 =	sadd.s32 s11, s12;
	s12 =	sadd.s32 $0x5BA00, s15;
	s15 =	simm.s32 $0x4  }
.LBB2_1:
0x14: {  	[spmem:s14], [sflag:s7] =	dma.local [hbm:s6], $0x2780  }
0x15: {  	[tilespmem:s3], [sflag:$0x4] =	stream.linear.gather [hbm4b:s8+s3], $0x1400, $0x38;
	[tilespmem:$0x1E400] =	vst v63  }
0x16: {  	_ =	swait.ge [sflag:s15], $0x1400  }
0x17: {  	[sflag:s15] =	ssyncset.done $0x0  }
0x18: {  	[sflag:s15] =	ssyncadd.s32 $0xFFFFEC00  }
0x19: {  	[tilespmem:s16], [sflag:$0x4] =	stream.linear.gather [hbm4b:s9+s3], $0x1400, $0x38;
	[tilespmem:$0x1E400] =	vst v63  }
0x1a: {  	_ =	swait.ge [sflag:s15], $0x1400  }
0x1b: {  	[sflag:s15] =	ssyncset.done $0x0  }
0x1c: {  	[sflag:s15] =	ssyncadd.s32 $0xFFFFEC00  }
0x1d: {  	[tilespmem:s18], [sflag:$0x1] =	stream.indirect.gather [hbm4b:s4+s17], $0x80, s3, s17, $0xb8;
	[tilespmem:$0x1E400] =	vst v63  }
0x1e: {  	_ = 	snop  }
0x1f: {  	[tilespmem:s19], [sflag:$0x2] =	stream.indirect.gather [hbm4b:s4+s17], $0x80, s17, s17, $0xb8;
	[tilespmem:$0x1E400] =	vst v63  }
0x20: {  	_ =	swait.ge [sflag:s20], $0x2780  }
0x21: {  	[sflag:s20] =	ssyncset.done $0x0  }
0x22: {  	[sflag:s20] =	ssyncadd.s32 $0xFFFFD880  }
0x23: {  	[bflag:$0x0] =	sbarrier.arrive $0xFFFF  }
0x24: {  	_ =	swait.ge [sflag:s21], $0x4000  }
0x25: {  	[sflag:s21] =	ssyncset.done $0x0  }
0x26: {  	s26 =	simm.s32 $0x1400;
	[sflag:s21] =	ssyncadd.s32 $0xFFFFC000  }
0x27: {  	[spmem:s2] =	stream.indirect.scatter.add.f32 [tilespmem:s18], [sflag:$0x4], $0x80, s26, s17, $0xb8;
	[tilespmem:$0x1E400] =	vst v63  }
0x28: {  	_ =	swait.ge [sflag:s15], $0x4000  }
0x29: {  	[sflag:s15] =	ssyncset.done $0x0  }
0x2a: {  	s30 =	simm.s32 $0x100;
	[sflag:s15] =	ssyncadd.s32 $0xFFFFC000  }
0x2b: {  	[tilespmem:s18], [sflag:$0x1] =	stream.indirect.gather [hbm4b:s4+s17], $0x80, s30, s17, $0xb8;
	[tilespmem:$0x1E400] =	vst v63  }
0x2c: {  	_ =	swait.ge [sflag:s22], $0x4000  }
0x2d: {  	[sflag:s22] =	ssyncset.done $0x0  }
0x2e: {  	s31 =	simm.s32 $0x1480;
	[sflag:s22] =	ssyncadd.s32 $0xFFFFC000  }
0x2f: {  	[spmem:s2] =	stream.indirect.scatter.add.f32 [tilespmem:s19], [sflag:$0x4], $0x80, s31, s17, $0xb8;
	[tilespmem:$0x1E400] =	vst v63  }
0x30: {  	_ =	swait.ge [sflag:s15], $0x4000  }
0x31: {  	[sflag:s15] =	ssyncset.done $0x0  }
0x32: {  	s28 =	simm.s32 $0x180;
	s26 =	simm.s32 $0x400;
	[sflag:s15] =	ssyncadd.s32 $0xFFFFC000  }
.LBB2_2:
0x33: {  	[tilespmem:s19], [sflag:$0x2] =	stream.indirect.gather [hbm4b:s4+s17], $0x80, s28, s17, $0xb8;
	[tilespmem:$0x1E400] =	vst v63  }
0x34: {  	s28 =	smov.u32 s26  }
0x35: {  	p0 =	sne.s32 s26, $0x4800;
	s26 =	sadd.s32 $0x400, s26;
	_ =	swait.ge [sflag:s21], $0x4000  }
0x36: {  	s28 =	sshra.s32 s28, $0x2;
	[sflag:s21] =	ssyncset.done $0x0  }
0x37: {  	s29 =	sadd.s32 $0x1400, s28;
	[sflag:s21] =	ssyncadd.s32 $0xFFFFC000  }
0x38: {  	[spmem:s2] =	stream.indirect.scatter.add.f32 [tilespmem:s18], [sflag:$0x4], $0x80, s29, s17, $0xb8;
	[tilespmem:$0x1E400] =	vst v63  }
0x39: {  	_ =	swait.ge [sflag:s15], $0x4000  }
0x3a: {  	[sflag:s15] =	ssyncset.done $0x0  }
0x3b: {  	s29 =	sadd.s32 $0x100, s28;
	[sflag:s15] =	ssyncadd.s32 $0xFFFFC000  }
0x3c: {  	[tilespmem:s18], [sflag:$0x1] =	stream.indirect.gather [hbm4b:s4+s17], $0x80, s29, s17, $0xb8;
	[tilespmem:$0x1E400] =	vst v63  }
0x3d: {  	_ =	swait.ge [sflag:s22], $0x4000  }
0x3e: {  	[sflag:s22] =	ssyncset.done $0x0  }
.Ltmp0:
0x3f: {  	s29 =	sadd.s32 $0x1480, s28;
	[sflag:s22] =	ssyncadd.s32 $0xFFFFC000;
	(pc) =	sbr.rel @p0 .LBB2_2-.Ltmp0, $4  }
0x40: {  	[spmem:s2] =	stream.indirect.scatter.add.f32 [tilespmem:s19], [sflag:$0x4], $0x80, s29, s17, $0xb8;
	[tilespmem:$0x1E400] =	vst v63  }
0x41: {  	_ =	swait.ge [sflag:s15], $0x4000  }
0x42: {  	[sflag:s15] =	ssyncset.done $0x0  }
0x43: {  	s28 =	sadd.s32 $0x180, s28;
	[sflag:s15] =	ssyncadd.s32 $0xFFFFC000  }
0x44: {  	[tilespmem:s19], [sflag:$0x2] =	stream.indirect.gather [hbm4b:s4+s17], $0x80, s28, s17, $0xb8;
	[tilespmem:$0x1E400] =	vst v63  }
0x45: {  	_ =	swait.ge [sflag:s21], $0x4000  }
0x46: {  	[sflag:s21] =	ssyncset.done $0x0  }
0x47: {  	[sflag:s21] =	ssyncadd.s32 $0xFFFFC000  }
0x48: {  	[spmem:s2] =	stream.indirect.scatter.add.f32 [tilespmem:s18], [sflag:$0x4], $0x80, s23, s17, $0xb8;
	[tilespmem:$0x1E400] =	vst v63  }
0x49: {  	_ =	swait.ge [sflag:s15], $0x4000  }
0x4a: {  	[sflag:s15] =	ssyncset.done $0x0  }
0x4b: {  	[sflag:s15] =	ssyncadd.s32 $0xFFFFC000  }
0x4c: {  	_ =	swait.ge [sflag:s22], $0x4000  }
0x4d: {  	[sflag:s22] =	ssyncset.done $0x0  }
0x4e: {  	[sflag:s22] =	ssyncadd.s32 $0xFFFFC000  }
0x4f: {  	[spmem:s2] =	stream.indirect.scatter.add.f32 [tilespmem:s19], [sflag:$0x4], $0x80, s24, s17, $0xb8;
	[tilespmem:$0x1E400] =	vst v63  }
0x50: {  	_ =	swait.ge [sflag:s15], $0x4000  }
0x51: {  	[sflag:s15] =	ssyncset.done $0x0  }
0x52: {  	s26 =	simm.s32 $0x0;
	[sflag:s15] =	ssyncadd.s32 $0xFFFFC000  }
0x53: {  	[tilespmem:s26], [sflag:$0x4] =	stream.linear.gather [hbm4b:s10+s26], $0x1400, $0x38;
	[tilespmem:$0x1E400] =	vst v63  }
0x54: {  	_ =	swait.ge [sflag:s15], $0x1400  }
0x55: {  	[sflag:s15] =	ssyncset.done $0x0  }
0x56: {  	[sflag:s15] =	ssyncadd.s32 $0xFFFFEC00  }
0x57: {  	[tilespmem:s16], [sflag:$0x4] =	stream.linear.gather [hbm4b:s11+s26], $0x1400, $0x38;
	[tilespmem:$0x1E400] =	vst v63  }
0x58: {  	_ =	swait.ge [sflag:s15], $0x1400  }
0x59: {  	[sflag:s15] =	ssyncset.done $0x0  }
0x5a: {  	[sflag:s15] =	ssyncadd.s32 $0xFFFFEC00  }
0x5b: {  	[tilespmem:s18], [sflag:$0x1] =	stream.indirect.gather [hbm4b:s4+s17], $0x80, s26, s17, $0xb8;
	[tilespmem:$0x1E400] =	vst v63  }
0x5c: {  	_ = 	snop  }
0x5d: {  	[tilespmem:s19], [sflag:$0x2] =	stream.indirect.gather [hbm4b:s4+s17], $0x80, s17, s17, $0xb8;
	[tilespmem:$0x1E400] =	vst v63  }
0x5e: {  	_ =	swait.ge [sflag:s21], $0x4000  }
0x5f: {  	[sflag:s21] =	ssyncset.done $0x0  }
0x60: {  	s29 =	simm.s32 $0x1400;
	[sflag:s21] =	ssyncadd.s32 $0xFFFFC000  }
0x61: {  	[spmem:s2] =	stream.indirect.scatter.add.f32 [tilespmem:s18], [sflag:$0x4], $0x80, s29, s17, $0xb8;
	[tilespmem:$0x1E400] =	vst v63  }
0x62: {  	_ =	swait.ge [sflag:s15], $0x4000  }
0x63: {  	[sflag:s15] =	ssyncset.done $0x0  }
0x64: {  	s30 =	simm.s32 $0x100;
	[sflag:s15] =	ssyncadd.s32 $0xFFFFC000  }
0x65: {  	[tilespmem:s18], [sflag:$0x1] =	stream.indirect.gather [hbm4b:s4+s17], $0x80, s30, s17, $0xb8;
	[tilespmem:$0x1E400] =	vst v63  }
0x66: {  	_ =	swait.ge [sflag:s22], $0x4000  }
0x67: {  	[sflag:s22] =	ssyncset.done $0x0  }
0x68: {  	s31 =	simm.s32 $0x1480;
	[sflag:s22] =	ssyncadd.s32 $0xFFFFC000  }
0x69: {  	[spmem:s2] =	stream.indirect.scatter.add.f32 [tilespmem:s19], [sflag:$0x4], $0x80, s31, s17, $0xb8;
	[tilespmem:$0x1E400] =	vst v63  }
0x6a: {  	_ =	swait.ge [sflag:s15], $0x4000  }
0x6b: {  	[sflag:s15] =	ssyncset.done $0x0  }
0x6c: {  	s28 =	simm.s32 $0x180;
	s26 =	simm.s32 $0x400;
	[sflag:s15] =	ssyncadd.s32 $0xFFFFC000  }
.LBB2_4:
0x6d: {  	[tilespmem:s19], [sflag:$0x2] =	stream.indirect.gather [hbm4b:s4+s17], $0x80, s28, s17, $0xb8;
	[tilespmem:$0x1E400] =	vst v63  }
0x6e: {  	s28 =	smov.u32 s26  }
0x6f: {  	p0 =	sne.s32 s26, $0x4800;
	s26 =	sadd.s32 $0x400, s26;
	_ =	swait.ge [sflag:s21], $0x4000  }
0x70: {  	s28 =	sshra.s32 s28, $0x2;
	[sflag:s21] =	ssyncset.done $0x0  }
0x71: {  	s29 =	sadd.s32 $0x1400, s28;
	[sflag:s21] =	ssyncadd.s32 $0xFFFFC000  }
0x72: {  	[spmem:s2] =	stream.indirect.scatter.add.f32 [tilespmem:s18], [sflag:$0x4], $0x80, s29, s17, $0xb8;
	[tilespmem:$0x1E400] =	vst v63  }
0x73: {  	_ =	swait.ge [sflag:s15], $0x4000  }
0x74: {  	[sflag:s15] =	ssyncset.done $0x0  }
0x75: {  	s29 =	sadd.s32 $0x100, s28;
	[sflag:s15] =	ssyncadd.s32 $0xFFFFC000  }
0x76: {  	[tilespmem:s18], [sflag:$0x1] =	stream.indirect.gather [hbm4b:s4+s17], $0x80, s29, s17, $0xb8;
	[tilespmem:$0x1E400] =	vst v63  }
0x77: {  	_ =	swait.ge [sflag:s22], $0x4000  }
0x78: {  	[sflag:s22] =	ssyncset.done $0x0  }
.Ltmp1:
0x79: {  	s29 =	sadd.s32 $0x1480, s28;
	[sflag:s22] =	ssyncadd.s32 $0xFFFFC000;
	(pc) =	sbr.rel @p0 .LBB2_4-.Ltmp1, $4  }
0x7a: {  	[spmem:s2] =	stream.indirect.scatter.add.f32 [tilespmem:s19], [sflag:$0x4], $0x80, s29, s17, $0xb8;
	[tilespmem:$0x1E400] =	vst v63  }
0x7b: {  	_ =	swait.ge [sflag:s15], $0x4000  }
0x7c: {  	[sflag:s15] =	ssyncset.done $0x0  }
0x7d: {  	s28 =	sadd.s32 $0x180, s28;
	[sflag:s15] =	ssyncadd.s32 $0xFFFFC000  }
0x7e: {  	[tilespmem:s19], [sflag:$0x2] =	stream.indirect.gather [hbm4b:s4+s17], $0x80, s28, s17, $0xb8;
	[tilespmem:$0x1E400] =	vst v63  }
0x7f: {  	_ =	swait.ge [sflag:s21], $0x4000  }
0x80: {  	[sflag:s21] =	ssyncset.done $0x0  }
0x81: {  	[sflag:s21] =	ssyncadd.s32 $0xFFFFC000  }
0x82: {  	[spmem:s2] =	stream.indirect.scatter.add.f32 [tilespmem:s18], [sflag:$0x4], $0x80, s23, s17, $0xb8;
	[tilespmem:$0x1E400] =	vst v63  }
0x83: {  	_ =	swait.ge [sflag:s15], $0x4000  }
0x84: {  	[sflag:s15] =	ssyncset.done $0x0  }
0x85: {  	[sflag:s15] =	ssyncadd.s32 $0xFFFFC000  }
0x86: {  	_ =	swait.ge [sflag:s22], $0x4000  }
0x87: {  	[sflag:s22] =	ssyncset.done $0x0  }
0x88: {  	[sflag:s22] =	ssyncadd.s32 $0xFFFFC000  }
0x89: {  	[spmem:s2] =	stream.indirect.scatter.add.f32 [tilespmem:s19], [sflag:$0x4], $0x80, s24, s17, $0xb8;
	[tilespmem:$0x1E400] =	vst v63  }
0x8a: {  	_ =	swait.ge [sflag:s15], $0x4000  }
0x8b: {  	s25 =	sadd.s32 $0x1, s25;
	[sflag:s15] =	ssyncset.done $0x0  }
0x8c: {  	p0 =	sne.s32 s25, s13;
	[sflag:s15] =	ssyncadd.s32 $0xFFFFC000  }
.Ltmp2:
0x8d: {  	s26 =	sor.u32 $0x1C04, s5;
	[bflag:$0x0] =	sbarrier.arrive $0xFFFF;
	(pc) =	sbr.rel @p0 .LBB2_1-.Ltmp2, $4  }
0x8e: {  	[hbm:s12], [sflag:s26] =	dma.local [spmem:s14], $0x2780  }
0x8f: {  	_ =	swait.ge [sflag:s15], $0x2780  }
0x90: {  	[sflag:s15] =	ssyncset.done $0x0  }
0x91: {  	[sflag:s15] =	ssyncadd.s32 $0xFFFFD880  }
0x92: {  	_ =	sfence.sel $0x180000  }
0x93: {  	[bflag:$0x0] =	sbarrier.arrive $0xFFFF  }
0x94: {  	p0 =	sne.s32 s1, $0x0;
	_ =	strace $0x9000004A  }
0x95: {  	s0 =	sadd.s32 @!p0 $0x100000, s0;
	[bflag:$0x2] =	sbarrier.arrive $0xFFFF  }
0x96: {  	[sflag:s0] =	ssyncadd.tile.s32 @!p0 $0x1;
	_ =	shalt  }
.Lfunc_end2:
_tile_overlayer_lowered:
.L_overlay_start_2:
0x97: {  	(tag) =	ssettag $0x2  }
0x98: {  	s0 =	rddreg [dreg:$0x0];
	s2 =	stileid.u32  }
0x99: {  	s1 =	rddreg [dreg:$0x1];
	p0 =	sne.s32 s2, $0x0  }
0x9a: {  	s3 =	rddreg [dreg:$0x2];
	[bflag:$0x3] =	sbarrier.arrive $0xFFFF;
	s2 =	simm.s32 @!p0 $0x1C04  }
0x9b: {  	[timem:s3], [sflag:s2] =	dma.local @!p0 [hbm:s0], s1  }
0x9c: {  	s0 =	simm.s32 @!p0 $0x4  }
0x9d: {  	_ =	swait.ge @!p0 [sflag:s0], s1  }
0x9e: {  	s1 =	ssub.s32 @!p0 $0x0, s1;
	[sflag:s0] =	ssyncset.done @!p0 $0x0  }
0x9f: {  	[sflag:s0] =	ssyncadd.s32 @!p0 s1  }
0xa0: {  	[bflag:$0x3] =	sbarrier.arrive $0xFFFF  }
0xa1: {  	_ =	shalt  }

// kernel: kernel.7.cloned.1.call-start
scs
__scs_entry_jumppad:
0x0: {  	(pc) =	sbr.rel $0x88, $3  }
0x1: {  	(tag) =	ssettag $0x0;
	lr =	simm.s32 $0x1  }
0x2: {  	[smem:$0x3F8F] =	sst lr;
	_ =	strace $0xD0000000  }
0x3: {  	_ = 	snop  }
0x4: {  	_ = 	snop  }
0x5: {  	_ = 	snop  }
0x6: {  	_ = 	snop  }
0x7: {  	_ = 	snop  }
__scs_overlays_trampoline_lowered:
0x8: {  	[smem:$0x3F9E] =	sst s0  }
0x9: {  	[smem:$0x3F9F] =	sst s1  }
0xa: {  	[smem:$0x3FA0] =	sst s2  }
0xb: {  	[smem:$0x3FA1] =	sst s3  }
0xc: {  	[smem:$0x3FA2] =	sst s4  }
0xd: {  	[smem:$0x3FA3] =	sst s5  }
0xe: {  	[smem:$0x3FA4] =	sst s6  }
0xf: {  	[smem:$0x3FA5] =	sst s7  }
0x10: {  	[smem:$0x3FA6] =	sst s8  }
0x11: {  	[smem:$0x3FA7] =	sst s9;
	s0 =	simm.s32 @!p0 $0x0  }
0x12: {  	s1 =	sld [smem:$0x3F8D];
	s0 =	simm.s32 @p0 $0x1  }
0x13: {  	[smem:$0x3FA8] =	sst s0;
	s0 =	simm.s32 @!p1 $0x0  }
0x14: {  	s2 =	sld [smem:$0x3F8C];
	s0 =	simm.s32 @p1 $0x1  }
0x15: {  	[smem:$0x3FA9] =	sst s0;
	s0 =	simm.s32 @!p2 $0x0  }
0x16: {  	s3 =	sld [smem:$0x3FDB];
	s0 =	simm.s32 @p2 $0x1  }
0x17: {  	s4 =	simm.s32 $0x1BF5;
	[smem:$0x3FAB] =	sst s0  }
0x18: {  	s0 =	sld [smem:$0x3F8E];
	_ =	swait.ge [sflag:s4], $0x0  }
0x19: {  	s7 =	sld [smem:$0x3F8F]  }
0x1a: {  	s8 =	sadd.s32 $0xFFFFE003, lr  }
0x1b: {  	s9 =	sadd.s32 $0xFFFFFEF7, lr;
	s5 =	simm.s32 $0xFFFFFFFF;
	p2 =	slt.u32 s8, $0xFFFFF086  }
0x1c: {  	p1 =	slt.u32 s9, $0xF7A;
	s5 =	simm.s32 @!p2 $0x0  }
0x1d: {  	s5 =	simm.s32 @p1 $0x1;
	p0 =	seq.s32 s7, s2  }
0x1e: {  	s7 =	smul.u32 @!p0 $0xF7A, s2;
	p2 =	seq.s32 @!p0 s5, $0x0  }
0x1f: {  	s9 =	smul.u32 $0xF7A, s1;
	s8 =	simm.s32 @!p0 $0x1BF5;
	p2 =	por !p2, p0  }
0x20: {  	[sflag:s8] =	ssyncset.s32 @!p0 $0xFFFFF086;
	s6 =	sadd.s32 @!p0 s3, s7;
	s7 =	simm.s32 @!p0 $0x108  }
0x21: {  	s3 =	sadd.s32 s3, s9;
	s6 =	sadd.s32 @!p0 $0x88, s6;
	s7 =	simm.s32 @p2 $0x1082  }
0x22: {  	[simem:s7], [sflag:s8] =	dma.local @!p0 [hbm:s6], $0xF7A  }
0x23: {  	s9 =	sor.u32 $0xD0000000, s2;
	s6 =	simm.s32 $0x108;
	_ =	swait.ge @!p0 [sflag:s8], $0x0  }
0x24: {  	s3 =	sadd.s32 $0x88, s3;
	s6 =	simm.s32 @!p1 $0x1082;
	[sflag:s4] =	ssyncset.s32 $0xFFFFF086  }
0x25: {  	[simem:s6], [sflag:s4] =	dma.local [hbm:s3], $0xF7A  }
0x26: {  	[smem:$0x3F8F] =	sst s1;
	(tag) =	ssettag s2;
	_ =	strace s9  }
0x27: {  	s1 =	sld [smem:$0x3F9F]  }
0x28: {  	s2 =	sld [smem:$0x3FA0]  }
0x29: {  	s4 =	sld [smem:$0x3FA2]  }
0x2a: {  	p0 =	seq.s32 s5, $0x0;
	s5 =	sld [smem:$0x3FA3]  }
0x2b: {  	s6 =	sld [smem:$0x3FA4]  }
0x2c: {  	s7 =	sld [smem:$0x3FA5]  }
0x2d: {  	s3 =	simm.s32 $0x108;
	s8 =	sld [smem:$0x3FA6]  }
0x2e: {  	s3 =	simm.s32 @!p0 $0x1082;
	s9 =	sld [smem:$0x3FA7]  }
0x2f: {  	lr =	sadd.s32 s0, s3;
	s0 =	sld [smem:$0x3F9E]  }
0x30: {  	s3 =	sld [smem:$0x3FA1]  }
0x31: {  	[smem:$0x3FAA] =	sst s10  }
0x32: {  	s10 =	sld [smem:$0x3FA8];
	_ =	sdelay $0x3  }
0x33: {  	p0 =	seq.s32 s10, $0x1;
	s10 =	sld [smem:$0x3FAA];
	_ =	sdelay $0x3  }
0x34: {  	[smem:$0x3FAA] =	sst s10  }
0x35: {  	s10 =	sld [smem:$0x3FA9];
	_ =	sdelay $0x3  }
0x36: {  	p1 =	seq.s32 s10, $0x1;
	s10 =	sld [smem:$0x3FAA];
	_ =	sdelay $0x3  }
0x37: {  	[smem:$0x3FAA] =	sst s10  }
0x38: {  	s10 =	sld [smem:$0x3FAB]  }
0x39: {  	_ = 	snop;
	(pc) =	sbr.ind lr, $3  }
0x3a: {  	_ = 	snop  }
0x3b: {  	_ = 	snop  }
0x3c: {  	p2 =	seq.s32 s10, $0x1;
	s10 =	sld [smem:$0x3FAA]  }
0x3d: {  	_ =	shalt  }
0x3e: {  	_ =	shalt  }
0x3f: {  	_ =	shalt  }
0x40: {  	_ =	shalt  }
0x41: {  	_ =	shalt  }
0x42: {  	_ =	shalt  }
0x43: {  	_ =	shalt  }
0x44: {  	_ =	shalt  }
0x45: {  	_ =	shalt  }
0x46: {  	_ =	shalt  }
0x47: {  	_ =	shalt  }
0x48: {  	_ =	shalt  }
0x49: {  	_ =	shalt  }
0x4a: {  	_ =	shalt  }
0x4b: {  	_ =	shalt  }
0x4c: {  	_ =	shalt  }
0x4d: {  	_ =	shalt  }
0x4e: {  	_ =	shalt  }
0x4f: {  	_ =	shalt  }
0x50: {  	_ =	shalt  }
0x51: {  	_ =	shalt  }
0x52: {  	_ =	shalt  }
0x53: {  	_ =	shalt  }
0x54: {  	_ =	shalt  }
0x55: {  	_ =	shalt  }
0x56: {  	_ =	shalt  }
0x57: {  	_ =	shalt  }
0x58: {  	_ =	shalt  }
0x59: {  	_ =	shalt  }
0x5a: {  	_ =	shalt  }
0x5b: {  	_ =	shalt  }
0x5c: {  	_ =	shalt  }
0x5d: {  	_ =	shalt  }
0x5e: {  	_ =	shalt  }
0x5f: {  	_ =	shalt  }
0x60: {  	_ =	shalt  }
0x61: {  	_ =	shalt  }
0x62: {  	_ =	shalt  }
0x63: {  	_ =	shalt  }
0x64: {  	_ =	shalt  }
0x65: {  	_ =	shalt  }
0x66: {  	_ =	shalt  }
0x67: {  	_ =	shalt  }
0x68: {  	_ =	shalt  }
0x69: {  	_ =	shalt  }
0x6a: {  	_ =	shalt  }
0x6b: {  	_ =	shalt  }
0x6c: {  	_ =	shalt  }
0x6d: {  	_ =	shalt  }
0x6e: {  	_ =	shalt  }
0x6f: {  	_ =	shalt  }
0x70: {  	_ =	shalt  }
0x71: {  	_ =	shalt  }
0x72: {  	_ =	shalt  }
0x73: {  	_ =	shalt  }
0x74: {  	_ =	shalt  }
0x75: {  	_ =	shalt  }
0x76: {  	_ =	shalt  }
0x77: {  	_ =	shalt  }
0x78: {  	_ =	shalt  }
0x79: {  	_ =	shalt  }
0x7a: {  	_ =	shalt  }
0x7b: {  	_ =	shalt  }
0x7c: {  	_ =	shalt  }
0x7d: {  	_ =	shalt  }
0x7e: {  	_ =	shalt  }
0x7f: {  	_ =	shalt  }
0x80: {  	_ =	shalt  }
0x81: {  	_ =	shalt  }
0x82: {  	_ =	shalt  }
0x83: {  	_ =	shalt  }
0x84: {  	_ =	shalt  }
0x85: {  	_ =	shalt  }
0x86: {  	_ =	shalt  }
0x87: {  	_ =	shalt  }
.Lfunc_end0:
.L_simem_size_0:
called_computation_lowered:
.L_overlay_start_0:
0x88: {  	s2 =	sld [smem:$0x3FD9]  }
0x89: {  	s3 =	sld [smem:$0x3FFE];
	_ =	sdelay $0x1  }
0x8a: {  	s1 =	srdreg.scid  }
0x8b: {  	s0 =	sand.u32 $0x1, s1  }
0x8c: {  	s17 =	sshll.u32 s0, $0xA;
	s2 =	sadd.s32 s3, s2  }
0x8d: {  	s2 =	sadd.s32 s2, s17  }
0x8e: {  	[smem:$0x3FB6] =	sst s2  }
0x8f: {  	_ = 	snop  }
0x90: {  	s2 =	sld [smem:$0x3FD0];
	(tm) =	ssettm $0x1  }
0x91: {  	s18 =	sld [smem:$0x3FFB];
	_ =	sdelay $0x3  }
0x92: {  	_ =	strace s18  }
0x93: {  	s3 =	sld [smem:$0x3FFC];
	_ =	sdelay $0x3  }
0x94: {  	_ =	strace s3  }
0x95: {  	s3 =	sld [smem:$0x3FFD];
	_ =	sdelay $0x3  }
0x96: {  	_ =	strace s3  }
0x97: {  	_ =	strace $0x8FFFFFFF  }
0x98: {  	s19 =	sld [smem:$0x3FDB];
	_ =	sdelay $0x1  }
0x99: {  	s4 =	simm.s32 $_scs_section_size  }
0x9a: {  	s5 =	simm.s32 $_size__tile_overlayer_lowered;
	s6 =	simm.s32 $_tile_overlayer_lowered  }
0x9b: {  	s22 =	simm.s32 $0x1BFF;
	s21 =	sshll.u32 s6, $0x1;
	s3 =	sadd.s32 s4, s19  }
0x9c: {  	s7 =	simm.s32 $0x0;
	s20 =	sshll.u32 s5, $0x1;
	s5 =	sadd.s32 s21, s3  }
0x9d: {  	[timem:s7], [sflag:s22] =	dma.local [hbm:s5], s20  }
0x9e: {  	_ =	swait.ge [sflag:s22], s20  }
0x9f: {  	s4 =	ssub.s32 $0x0, s20;
	[sflag:s22] =	ssyncset.done $0x0  }
0xa0: {  	[sflag:s22] =	ssyncadd.s32 s4;
	_ =	sdelay $0x1  }
0xa1: {  	s23 =	simm.s32 $0x1B8B  }
0xa2: {  	_ =	swait.ge [sflag:s23], $0x1  }
0xa3: {  	[sflag:s23] =	ssyncset.done $0x0  }
0xa4: {  	s25 =	simm.s32 $0x1B8E;
	s24 =	sld [smem:$0x3FFE];
	[sflag:s23] =	ssyncadd.s32 $0xFFFFFFFF  }
0xa5: {  	s26 =	simm.s32 $execute0_lowered;
	[smem:$0x3FD2] =	sst s25  }
0xa6: {  	s5 =	sshll.u32 s26, $0x1;
	_ =	strace $0x80000046;
	[dreg:$0x1] =	wrdreg $0xFFFFFFFF  }
0xa7: {  	s28 =	simm.s32 $_size_execute0_lowered;
	s3 =	sadd.s32 s3, s5;
	[dreg:$0x0] =	wrdreg $0x0  }
0xa8: {  	s5 =	sshll.u32 s28, $0x1;
	[dreg:$0x2] =	wrdreg s3  }
0xa9: {  	[dreg:$0x3] =	wrdreg s5  }
0xaa: {  	[dreg:$0x4] =	wrdreg $0xC0  }
0xab: {  	_ =	task [dreg:s7], $0x5FFFF  }
0xac: {  	[dreg:$0x1] =	wrdreg $0xFFFFFFFF  }
0xad: {  	[dreg:$0x0] =	wrdreg $0x60  }
0xae: {  	[dreg:$0x2] =	wrdreg s24  }
0xaf: {  	[dreg:$0x3] =	wrdreg s2  }
0xb0: {  	[dreg:$0x4] =	wrdreg $0xA8000  }
0xb1: {  	[dreg:$0x5] =	wrdreg $0x9  }
0xb2: {  	_ =	task.clear_ibuf [dreg:s7], $0x6FFFF;
	_ =	strace $0x90000046  }
0xb3: {  	s29 =	simm.s32 $0x9;
	_ =	strace $0x80000048  }
0xb4: {  	_ =	swait.ge [sflag:s29], $0x1  }
0xb5: {  	[sflag:s29] =	ssyncadd.s32 $0xFFFFFFFF  }
0xb6: {  	_ =	strace $0x90000048  }
0xb7: {  	_ =	sfence  }
0xb8: {  	s30 =	sld [smem:$0x0];
	_ =	sdelay $0x2  }
0xb9: {  	s31 =	sshll.u32 s1, $0xD;
	s1 =	sshrl.u32 s1, $0x2  }
0xba: {  	s3 =	sand.u32 $0x4000, s31;
	s1 =	sadd.s32 s1, s30  }
0xbb: {  	s0 =	sor.u32 s3, s0;
	s1 =	sshll.u32 s1, $0x11  }
0xbc: {  	s0 =	sor.u32 s1, s0  }
0xbd: {  	s0 =	sadd.s32 $0x8F2B, s0  }
0xbe: {  	[sflag:s0] =	ssyncadd.remote.s32 $0x1  }
0xbf: {  	_ =	sfence.sel $0xFFFF  }
0xc0: {  	[dreg:$0x0] =	wrdreg $0xFFFFFFFF;
	(pc) =	sbr.abs _section_cstart, $3  }
0xc1: {  	[dreg:$0x1] =	wrdreg $0xFFFFFFFF  }
0xc2: {  	_ =	task.clear_ibuf [dreg:s7], $0x2FFFF;
	_ =	strace $0x9FFFFFFF  }
0xc3: {  	(tm) =	ssettm $0x7FFFFFFF  }
tec
execute0_lowered:
.L_overlay_start_1:
0x0: {  	(tag) =	ssettag $0x1  }
0x1: {  	s5 =	rddreg [dreg:$0x0]  }
0x2: {  	s10 =	rddreg [dreg:$0x1]  }
0x3: {  	s2 =	rddreg [dreg:$0x2]  }
0x4: {  	s0 =	rddreg [dreg:$0x3];
	s3 =	simm.s32 $0x0  }
0x5: {  	s1 =	stileid.u32;
	s4 =	srdreg.scid;
	s18 =	simm.s32 $0x2800  }
0x6: {  	s19 =	simm.s32 $0x6800;
	s20 =	simm.s32 $0x3;
	s21 =	simm.s32 $0x1  }
0x7: {  	s22 =	simm.s32 $0x2;
	s23 =	simm.s32 $0x2700;
	s24 =	simm.s32 $0x2780  }
0x8: {  	s25 =	simm.s32 $0x0;
	[smem:$0x7FF] =	sst s3;
	s6 =	smul.u32 $0x2780, s1  }
0x9: {  	s7 =	sand.u32 $0x1, s4;
	s4 =	sadd.s32 $0xD000, s5;
	s13 =	smul.u32 $0x4F000, s1  }
0xa: {  	s11 =	sadd.s32 $0x3000, s5;
	_ =	strace $0x80000047;
	s9 =	smul.u32 $0x27800, s7  }
0xb: {  	s12 =	sshll.u32 s7, $0x4;
	s7 =	ssub.s32 $0x2, s7;
	s8 =	sadd.s32 s6, s5  }
0xc: {  	s29 =	sor.u32 s1, s12;
	s30 =	sshrl.u32 s7, $0x1;
	s13 =	sshrl.u32 s13, $0x2  }
0xd: {  	s6 =	sadd.s32 s6, s9;
	s14 =	smul.u32 $0x2800, s29;
	s16 =	ssub.s32 s7, s30  }
0xe: {  	s17 =	sadd.s32 s13, s2;
	s9 =	smul.u32 $0x500, s29;
	s15 =	sadd.s32 s6, s5  }
0xf: {  	s5 =	sshll.u32 s1, $0x6;
	s6 =	sadd.s32 $0x34200, s8;
	s13 =	smax.u32 s16, $0x1  }
0x10: {  	s16 =	simm.s32 $0x1400;
	s31 =	sshrl.u32 s14, $0x3;
	s7 =	sor.u32 $0x1C03, s5  }
0x11: {  	s8 =	sadd.s32 s10, s9;
	s9 =	sadd.s32 s11, s9;
	s12 =	sadd.s32 $0x280, s31  }
0x12: {  	s14 =	sshrl.u32 s17, $0x3;
	s17 =	simm.s32 $0x80;
	s10 =	sadd.s32 s10, s12  }
0x13: {  	s11 =	sadd.s32 s11, s12;
	s12 =	sadd.s32 $0x5BA00, s15;
	s15 =	simm.s32 $0x4  }
.LBB2_1:
0x14: {  	[spmem:s14], [sflag:s7] =	dma.local [hbm:s6], $0x2780  }
0x15: {  	[tilespmem:s3], [sflag:$0x4] =	stream.linear.gather [hbm4b:s8+s3], $0x1400, $0x38;
	[tilespmem:$0x1E400] =	vst v63  }
0x16: {  	_ =	swait.ge [sflag:s15], $0x1400  }
0x17: {  	[sflag:s15] =	ssyncset.done $0x0  }
0x18: {  	[sflag:s15] =	ssyncadd.s32 $0xFFFFEC00  }
0x19: {  	[tilespmem:s16], [sflag:$0x4] =	stream.linear.gather [hbm4b:s9+s3], $0x1400, $0x38;
	[tilespmem:$0x1E400] =	vst v63  }
0x1a: {  	_ =	swait.ge [sflag:s15], $0x1400  }
0x1b: {  	[sflag:s15] =	ssyncset.done $0x0  }
0x1c: {  	[sflag:s15] =	ssyncadd.s32 $0xFFFFEC00  }
0x1d: {  	[tilespmem:s18], [sflag:$0x1] =	stream.indirect.gather [hbm4b:s4+s17], $0x80, s3, s17, $0xb8;
	[tilespmem:$0x1E400] =	vst v63  }
0x1e: {  	_ = 	snop  }
0x1f: {  	[tilespmem:s19], [sflag:$0x2] =	stream.indirect.gather [hbm4b:s4+s17], $0x80, s17, s17, $0xb8;
	[tilespmem:$0x1E400] =	vst v63  }
0x20: {  	_ =	swait.ge [sflag:s20], $0x2780  }
0x21: {  	[sflag:s20] =	ssyncset.done $0x0  }
0x22: {  	[sflag:s20] =	ssyncadd.s32 $0xFFFFD880  }
0x23: {  	[bflag:$0x0] =	sbarrier.arrive $0xFFFF  }
0x24: {  	_ =	swait.ge [sflag:s21], $0x4000  }
0x25: {  	[sflag:s21] =	ssyncset.done $0x0  }
0x26: {  	s26 =	simm.s32 $0x1400;
	[sflag:s21] =	ssyncadd.s32 $0xFFFFC000  }
0x27: {  	[spmem:s2] =	stream.indirect.scatter.add.f32 [tilespmem:s18], [sflag:$0x4], $0x80, s26, s17, $0xb8;
	[tilespmem:$0x1E400] =	vst v63  }
0x28: {  	_ =	swait.ge [sflag:s15], $0x4000  }
0x29: {  	[sflag:s15] =	ssyncset.done $0x0  }
0x2a: {  	s30 =	simm.s32 $0x100;
	[sflag:s15] =	ssyncadd.s32 $0xFFFFC000  }
0x2b: {  	[tilespmem:s18], [sflag:$0x1] =	stream.indirect.gather [hbm4b:s4+s17], $0x80, s30, s17, $0xb8;
	[tilespmem:$0x1E400] =	vst v63  }
0x2c: {  	_ =	swait.ge [sflag:s22], $0x4000  }
0x2d: {  	[sflag:s22] =	ssyncset.done $0x0  }
0x2e: {  	s31 =	simm.s32 $0x1480;
	[sflag:s22] =	ssyncadd.s32 $0xFFFFC000  }
0x2f: {  	[spmem:s2] =	stream.indirect.scatter.add.f32 [tilespmem:s19], [sflag:$0x4], $0x80, s31, s17, $0xb8;
	[tilespmem:$0x1E400] =	vst v63  }
0x30: {  	_ =	swait.ge [sflag:s15], $0x4000  }
0x31: {  	[sflag:s15] =	ssyncset.done $0x0  }
0x32: {  	s28 =	simm.s32 $0x180;
	s26 =	simm.s32 $0x400;
	[sflag:s15] =	ssyncadd.s32 $0xFFFFC000  }
.LBB2_2:
0x33: {  	[tilespmem:s19], [sflag:$0x2] =	stream.indirect.gather [hbm4b:s4+s17], $0x80, s28, s17, $0xb8;
	[tilespmem:$0x1E400] =	vst v63  }
0x34: {  	s28 =	smov.u32 s26  }
0x35: {  	p0 =	sne.s32 s26, $0x4800;
	s26 =	sadd.s32 $0x400, s26;
	_ =	swait.ge [sflag:s21], $0x4000  }
0x36: {  	s28 =	sshra.s32 s28, $0x2;
	[sflag:s21] =	ssyncset.done $0x0  }
0x37: {  	s29 =	sadd.s32 $0x1400, s28;
	[sflag:s21] =	ssyncadd.s32 $0xFFFFC000  }
0x38: {  	[spmem:s2] =	stream.indirect.scatter.add.f32 [tilespmem:s18], [sflag:$0x4], $0x80, s29, s17, $0xb8;
	[tilespmem:$0x1E400] =	vst v63  }
0x39: {  	_ =	swait.ge [sflag:s15], $0x4000  }
0x3a: {  	[sflag:s15] =	ssyncset.done $0x0  }
0x3b: {  	s29 =	sadd.s32 $0x100, s28;
	[sflag:s15] =	ssyncadd.s32 $0xFFFFC000  }
0x3c: {  	[tilespmem:s18], [sflag:$0x1] =	stream.indirect.gather [hbm4b:s4+s17], $0x80, s29, s17, $0xb8;
	[tilespmem:$0x1E400] =	vst v63  }
0x3d: {  	_ =	swait.ge [sflag:s22], $0x4000  }
0x3e: {  	[sflag:s22] =	ssyncset.done $0x0  }
.Ltmp0:
0x3f: {  	s29 =	sadd.s32 $0x1480, s28;
	[sflag:s22] =	ssyncadd.s32 $0xFFFFC000;
	(pc) =	sbr.rel @p0 .LBB2_2-.Ltmp0, $4  }
0x40: {  	[spmem:s2] =	stream.indirect.scatter.add.f32 [tilespmem:s19], [sflag:$0x4], $0x80, s29, s17, $0xb8;
	[tilespmem:$0x1E400] =	vst v63  }
0x41: {  	_ =	swait.ge [sflag:s15], $0x4000  }
0x42: {  	[sflag:s15] =	ssyncset.done $0x0  }
0x43: {  	s28 =	sadd.s32 $0x180, s28;
	[sflag:s15] =	ssyncadd.s32 $0xFFFFC000  }
0x44: {  	[tilespmem:s19], [sflag:$0x2] =	stream.indirect.gather [hbm4b:s4+s17], $0x80, s28, s17, $0xb8;
	[tilespmem:$0x1E400] =	vst v63  }
0x45: {  	_ =	swait.ge [sflag:s21], $0x4000  }
0x46: {  	[sflag:s21] =	ssyncset.done $0x0  }
0x47: {  	[sflag:s21] =	ssyncadd.s32 $0xFFFFC000  }
0x48: {  	[spmem:s2] =	stream.indirect.scatter.add.f32 [tilespmem:s18], [sflag:$0x4], $0x80, s23, s17, $0xb8;
	[tilespmem:$0x1E400] =	vst v63  }
0x49: {  	_ =	swait.ge [sflag:s15], $0x4000  }
0x4a: {  	[sflag:s15] =	ssyncset.done $0x0  }
0x4b: {  	[sflag:s15] =	ssyncadd.s32 $0xFFFFC000  }
0x4c: {  	_ =	swait.ge [sflag:s22], $0x4000  }
0x4d: {  	[sflag:s22] =	ssyncset.done $0x0  }
0x4e: {  	[sflag:s22] =	ssyncadd.s32 $0xFFFFC000  }
0x4f: {  	[spmem:s2] =	stream.indirect.scatter.add.f32 [tilespmem:s19], [sflag:$0x4], $0x80, s24, s17, $0xb8;
	[tilespmem:$0x1E400] =	vst v63  }
0x50: {  	_ =	swait.ge [sflag:s15], $0x4000  }
0x51: {  	[sflag:s15] =	ssyncset.done $0x0  }
0x52: {  	s26 =	simm.s32 $0x0;
	[sflag:s15] =	ssyncadd.s32 $0xFFFFC000  }
0x53: {  	[tilespmem:s26], [sflag:$0x4] =	stream.linear.gather [hbm4b:s10+s26], $0x1400, $0x38;
	[tilespmem:$0x1E400] =	vst v63  }
0x54: {  	_ =	swait.ge [sflag:s15], $0x1400  }
0x55: {  	[sflag:s15] =	ssyncset.done $0x0  }
0x56: {  	[sflag:s15] =	ssyncadd.s32 $0xFFFFEC00  }
0x57: {  	[tilespmem:s16], [sflag:$0x4] =	stream.linear.gather [hbm4b:s11+s26], $0x1400, $0x38;
	[tilespmem:$0x1E400] =	vst v63  }
0x58: {  	_ =	swait.ge [sflag:s15], $0x1400  }
0x59: {  	[sflag:s15] =	ssyncset.done $0x0  }
0x5a: {  	[sflag:s15] =	ssyncadd.s32 $0xFFFFEC00  }
0x5b: {  	[tilespmem:s18], [sflag:$0x1] =	stream.indirect.gather [hbm4b:s4+s17], $0x80, s26, s17, $0xb8;
	[tilespmem:$0x1E400] =	vst v63  }
0x5c: {  	_ = 	snop  }
0x5d: {  	[tilespmem:s19], [sflag:$0x2] =	stream.indirect.gather [hbm4b:s4+s17], $0x80, s17, s17, $0xb8;
	[tilespmem:$0x1E400] =	vst v63  }
0x5e: {  	_ =	swait.ge [sflag:s21], $0x4000  }
0x5f: {  	[sflag:s21] =	ssyncset.done $0x0  }
0x60: {  	s29 =	simm.s32 $0x1400;
	[sflag:s21] =	ssyncadd.s32 $0xFFFFC000  }
0x61: {  	[spmem:s2] =	stream.indirect.scatter.add.f32 [tilespmem:s18], [sflag:$0x4], $0x80, s29, s17, $0xb8;
	[tilespmem:$0x1E400] =	vst v63  }
0x62: {  	_ =	swait.ge [sflag:s15], $0x4000  }
0x63: {  	[sflag:s15] =	ssyncset.done $0x0  }
0x64: {  	s30 =	simm.s32 $0x100;
	[sflag:s15] =	ssyncadd.s32 $0xFFFFC000  }
0x65: {  	[tilespmem:s18], [sflag:$0x1] =	stream.indirect.gather [hbm4b:s4+s17], $0x80, s30, s17, $0xb8;
	[tilespmem:$0x1E400] =	vst v63  }
0x66: {  	_ =	swait.ge [sflag:s22], $0x4000  }
0x67: {  	[sflag:s22] =	ssyncset.done $0x0  }
0x68: {  	s31 =	simm.s32 $0x1480;
	[sflag:s22] =	ssyncadd.s32 $0xFFFFC000  }
0x69: {  	[spmem:s2] =	stream.indirect.scatter.add.f32 [tilespmem:s19], [sflag:$0x4], $0x80, s31, s17, $0xb8;
	[tilespmem:$0x1E400] =	vst v63  }
0x6a: {  	_ =	swait.ge [sflag:s15], $0x4000  }
0x6b: {  	[sflag:s15] =	ssyncset.done $0x0  }
0x6c: {  	s28 =	simm.s32 $0x180;
	s26 =	simm.s32 $0x400;
	[sflag:s15] =	ssyncadd.s32 $0xFFFFC000  }
.LBB2_4:
0x6d: {  	[tilespmem:s19], [sflag:$0x2] =	stream.indirect.gather [hbm4b:s4+s17], $0x80, s28, s17, $0xb8;
	[tilespmem:$0x1E400] =	vst v63  }
0x6e: {  	s28 =	smov.u32 s26  }
0x6f: {  	p0 =	sne.s32 s26, $0x4800;
	s26 =	sadd.s32 $0x400, s26;
	_ =	swait.ge [sflag:s21], $0x4000  }
0x70: {  	s28 =	sshra.s32 s28, $0x2;
	[sflag:s21] =	ssyncset.done $0x0  }
0x71: {  	s29 =	sadd.s32 $0x1400, s28;
	[sflag:s21] =	ssyncadd.s32 $0xFFFFC000  }
0x72: {  	[spmem:s2] =	stream.indirect.scatter.add.f32 [tilespmem:s18], [sflag:$0x4], $0x80, s29, s17, $0xb8;
	[tilespmem:$0x1E400] =	vst v63  }
0x73: {  	_ =	swait.ge [sflag:s15], $0x4000  }
0x74: {  	[sflag:s15] =	ssyncset.done $0x0  }
0x75: {  	s29 =	sadd.s32 $0x100, s28;
	[sflag:s15] =	ssyncadd.s32 $0xFFFFC000  }
0x76: {  	[tilespmem:s18], [sflag:$0x1] =	stream.indirect.gather [hbm4b:s4+s17], $0x80, s29, s17, $0xb8;
	[tilespmem:$0x1E400] =	vst v63  }
0x77: {  	_ =	swait.ge [sflag:s22], $0x4000  }
0x78: {  	[sflag:s22] =	ssyncset.done $0x0  }
.Ltmp1:
0x79: {  	s29 =	sadd.s32 $0x1480, s28;
	[sflag:s22] =	ssyncadd.s32 $0xFFFFC000;
	(pc) =	sbr.rel @p0 .LBB2_4-.Ltmp1, $4  }
0x7a: {  	[spmem:s2] =	stream.indirect.scatter.add.f32 [tilespmem:s19], [sflag:$0x4], $0x80, s29, s17, $0xb8;
	[tilespmem:$0x1E400] =	vst v63  }
0x7b: {  	_ =	swait.ge [sflag:s15], $0x4000  }
0x7c: {  	[sflag:s15] =	ssyncset.done $0x0  }
0x7d: {  	s28 =	sadd.s32 $0x180, s28;
	[sflag:s15] =	ssyncadd.s32 $0xFFFFC000  }
0x7e: {  	[tilespmem:s19], [sflag:$0x2] =	stream.indirect.gather [hbm4b:s4+s17], $0x80, s28, s17, $0xb8;
	[tilespmem:$0x1E400] =	vst v63  }
0x7f: {  	_ =	swait.ge [sflag:s21], $0x4000  }
0x80: {  	[sflag:s21] =	ssyncset.done $0x0  }
0x81: {  	[sflag:s21] =	ssyncadd.s32 $0xFFFFC000  }
0x82: {  	[spmem:s2] =	stream.indirect.scatter.add.f32 [tilespmem:s18], [sflag:$0x4], $0x80, s23, s17, $0xb8;
	[tilespmem:$0x1E400] =	vst v63  }
0x83: {  	_ =	swait.ge [sflag:s15], $0x4000  }
0x84: {  	[sflag:s15] =	ssyncset.done $0x0  }
0x85: {  	[sflag:s15] =	ssyncadd.s32 $0xFFFFC000  }
0x86: {  	_ =	swait.ge [sflag:s22], $0x4000  }
0x87: {  	[sflag:s22] =	ssyncset.done $0x0  }
0x88: {  	[sflag:s22] =	ssyncadd.s32 $0xFFFFC000  }
0x89: {  	[spmem:s2] =	stream.indirect.scatter.add.f32 [tilespmem:s19], [sflag:$0x4], $0x80, s24, s17, $0xb8;
	[tilespmem:$0x1E400] =	vst v63  }
0x8a: {  	_ =	swait.ge [sflag:s15], $0x4000  }
0x8b: {  	s25 =	sadd.s32 $0x1, s25;
	[sflag:s15] =	ssyncset.done $0x0  }
0x8c: {  	p0 =	sne.s32 s25, s13;
	[sflag:s15] =	ssyncadd.s32 $0xFFFFC000  }
.Ltmp2:
0x8d: {  	s26 =	sor.u32 $0x1C04, s5;
	[bflag:$0x0] =	sbarrier.arrive $0xFFFF;
	(pc) =	sbr.rel @p0 .LBB2_1-.Ltmp2, $4  }
0x8e: {  	[hbm:s12], [sflag:s26] =	dma.local [spmem:s14], $0x2780  }
0x8f: {  	_ =	swait.ge [sflag:s15], $0x2780  }
0x90: {  	[sflag:s15] =	ssyncset.done $0x0  }
0x91: {  	[sflag:s15] =	ssyncadd.s32 $0xFFFFD880  }
0x92: {  	_ =	sfence.sel $0x180000  }
0x93: {  	[bflag:$0x0] =	sbarrier.arrive $0xFFFF  }
0x94: {  	p0 =	sne.s32 s1, $0x0;
	_ =	strace $0x90000047  }
0x95: {  	s0 =	sadd.s32 @!p0 $0x100000, s0;
	[bflag:$0x2] =	sbarrier.arrive $0xFFFF  }
0x96: {  	[sflag:s0] =	ssyncadd.tile.s32 @!p0 $0x1;
	_ =	shalt  }
.Lfunc_end2:
_tile_overlayer_lowered:
.L_overlay_start_2:
0x97: {  	(tag) =	ssettag $0x2  }
0x98: {  	s0 =	rddreg [dreg:$0x0];
	s2 =	stileid.u32  }
0x99: {  	s1 =	rddreg [dreg:$0x1];
	p0 =	sne.s32 s2, $0x0  }
0x9a: {  	s3 =	rddreg [dreg:$0x2];
	[bflag:$0x3] =	sbarrier.arrive $0xFFFF;
	s2 =	simm.s32 @!p0 $0x1C04  }
0x9b: {  	[timem:s3], [sflag:s2] =	dma.local @!p0 [hbm:s0], s1  }
0x9c: {  	s0 =	simm.s32 @!p0 $0x4  }
0x9d: {  	_ =	swait.ge @!p0 [sflag:s0], s1  }
0x9e: {  	s1 =	ssub.s32 @!p0 $0x0, s1;
	[sflag:s0] =	ssyncset.done @!p0 $0x0  }
0x9f: {  	[sflag:s0] =	ssyncadd.s32 @!p0 s1  }
0xa0: {  	[bflag:$0x3] =	sbarrier.arrive $0xFFFF  }
0xa1: {  	_ =	shalt  }

</sc_bundles>
